<compile_context>
chip_gen: v7x
topology: tpu7x:2x2x1
jax: 0.10.2.dev20260603
libtpu: 0.0.44.dev20260713+nightly
codegen_flags: <defaults>
</compile_context>

<pallas_src>
import functools

import jax
import jax.numpy as jnp
from jax import lax
from jax.experimental import pallas as pl
from jax.experimental.pallas import tpu as pltpu
from jax.experimental.pallas import tpu_sc as plsc

X_MAX = 5.0
ALPHA = 0.75

NC = 2
NS = 16
L = 16
NW = NC * NS


def _partials_call(i, j, l_vecs, r_vecs, lb_flat, rb_flat):
    B = i.shape[0]
    E = l_vecs.shape[1]
    BPW = B // NW
    GROUPS = BPW // L

    mesh = plsc.VectorSubcoreMesh(core_axis_name="c", subcore_axis_name="s")

    @functools.partial(
        pl.kernel,
        out_type=jax.ShapeDtypeStruct((NW, 4, L), jnp.float32),
        mesh=mesh,
        compiler_params=pltpu.CompilerParams(
            needs_layout_passes=False, use_tc_tiling_on_sc=False),
        scratch_types=[
            pltpu.VMEM((BPW,), jnp.int32),
            pltpu.VMEM((BPW,), jnp.int32),
            pltpu.VMEM((BPW, E), jnp.float32),
            pltpu.VMEM((BPW, E), jnp.float32),
            pltpu.VMEM((BPW,), jnp.float32),
            pltpu.VMEM((BPW,), jnp.float32),
            pltpu.VMEM((4, L), jnp.float32),
            pltpu.SemaphoreType.DMA,
            pltpu.SemaphoreType.DMA,
            pltpu.SemaphoreType.DMA,
            pltpu.SemaphoreType.DMA,
        ],
    )
    def k(i_hbm, j_hbm, lv_hbm, rv_hbm, lb_hbm, rb_hbm, out_hbm,
          idx_i, idx_j, l_rows, r_rows, lb_v, rb_v, partials,
          sem0, sem1, sem2, sem3):
        wid = lax.axis_index("s") * NC + lax.axis_index("c")
        base = wid * BPW
        pltpu.sync_copy(i_hbm.at[pl.ds(base, BPW)], idx_i)
        pltpu.sync_copy(j_hbm.at[pl.ds(base, BPW)], idx_j)
        cp0 = pltpu.async_copy(lv_hbm.at[idx_i], l_rows, sem0)
        cp1 = pltpu.async_copy(rv_hbm.at[idx_j], r_rows, sem1)
        cp2 = pltpu.async_copy(lb_hbm.at[idx_i], lb_v, sem2)
        cp3 = pltpu.async_copy(rb_hbm.at[idx_j], rb_v, sem3)
        cp0.wait()
        cp1.wait()
        cp2.wait()
        cp3.wait()

        iota = lax.iota(jnp.int32, L)
        zf = jnp.zeros((L,), jnp.float32)
        Sd, Sd2, Se, Se2 = zf, zf, zf, zf
        for g in range(GROUPS):
            pvec = iota + (g * L)

            def kbody(kk, acc, pvec=pvec):
                for u in range(4):
                    kv = jnp.full((L,), kk * 4 + u, jnp.int32)
                    a = plsc.load_gather(l_rows, [pvec, kv])
                    b = plsc.load_gather(r_rows, [pvec, kv])
                    acc = acc + a * b
                return acc

            d = lax.fori_loop(0, E // 4, kbody, zf)
            e = lb_v[pl.ds(g * L, L)] + rb_v[pl.ds(g * L, L)]
            Sd = Sd + d
            Sd2 = Sd2 + d * d
            Se = Se + e
            Se2 = Se2 + e * e
        partials[0, :] = Sd
        partials[1, :] = Sd2
        partials[2, :] = Se
        partials[3, :] = Se2
        pltpu.sync_copy(partials, out_hbm.at[wid])

    return k(i, j, l_vecs, r_vecs, lb_flat, rb_flat)


def kernel(i, j, count, l_vecs, r_vecs, l_bias, r_bias):
    B = i.shape[0]
    parts = _partials_call(i, j, l_vecs, r_vecs,
                           l_bias.reshape(-1), r_bias.reshape(-1))
    s = parts.sum(axis=(0, 2))
    Sd, Sd2, Se, Se2 = s[0], s[1], s[2], s[3]
    c0 = count[0]
    logc = jnp.log(c0)
    wfn = jnp.where(c0 < X_MAX, (c0 / X_MAX) ** ALPHA, jnp.float32(1.0))
    Bf = jnp.float32(B)
    Sc = Se - Bf * logc
    Sc2 = Se2 - 2.0 * logc * Se + Bf * logc * logc
    return wfn * (Bf * Sd2 + 2.0 * Sd * Sc + Bf * Sc2)

# --- scband reference (transcript-rebuilt; emitter-appended) ---
"""Pipeline reference for scband-glove-33054068310228 (READ-ONLY COPY).

The authoritative reference and input builder live on the scoring server;
editing this copy changes nothing except your own understanding.
"""

import jax, jax.numpy as jnp
import numpy as np

VOCAB = 100000
EMBED = 64
B = 4096
X_MAX = 5.0
ALPHA = 0.75


def setup_inputs(seed: int = 0) -> dict:
    key = jax.random.key(seed)
    k1, k2, k3, k4, k5, k6, k7 = jax.random.split(key, 7)
    i = jax.random.randint(k1, (B,), 0, VOCAB, dtype=jnp.int32)
    j = jax.random.randint(k2, (B,), 0, VOCAB, dtype=jnp.int32)
    # co-occurrence count: strictly positive so log() is finite
    count = jax.random.uniform(k3, (1,), dtype=jnp.float32, minval=0.5, maxval=5.0)
    # learned parameters, init normal(std=0.01) as in the torch module
    l_vecs = 0.01 * jax.random.normal(k4, (VOCAB, EMBED), dtype=jnp.float32)
    r_vecs = 0.01 * jax.random.normal(k5, (VOCAB, EMBED), dtype=jnp.float32)
    l_bias = 0.01 * jax.random.normal(k6, (VOCAB, 1), dtype=jnp.float32)
    r_bias = 0.01 * jax.random.normal(k7, (VOCAB, 1), dtype=jnp.float32)
    return {"i": i, "j": j, "count": count, "l_vecs": l_vecs, "r_vecs": r_vecs, "l_bias": l_bias, "r_bias": r_bias}


def reference(i, j, count, l_vecs, r_vecs, l_bias, r_bias):
    # embedding gathers (SparseCore-friendly)
    l = jnp.take(l_vecs, i, axis=0)          # [B, E]
    r = jnp.take(r_vecs, j, axis=0)          # [B, E]
    lb = jnp.take(l_bias, i, axis=0)         # [B, 1]
    rb = jnp.take(r_bias, j, axis=0)         # [B, 1]
    # torch.mm(l, r.t()).diag() == row-wise dot product
    diag = jnp.einsum('bd,bd->b', l, r)      # [B]
    # fn(count): count is a size-1 tensor, matching the scalar branch in torch
    wfn = jnp.where(count < X_MAX, (count / X_MAX) ** ALPHA, 1.0)
    # faithful broadcast: [B] + [B,1] -> [B,B], as in the original torch code
    out = (diag + lb + rb - jnp.log(count)) ** 2
    out = out * wfn
    return out.sum()

if __name__ == "__main__":
    import jax
    _d = setup_inputs()
    print(jax.jit(kernel)(*tuple(_d.values())))

</pallas_src>

<mosaic_0001>
#map = affine_map<(d0, d1) -> (0)>
#map1 = affine_map<(d0, d1) -> (0, 0)>
#map2 = affine_map<(d0, d1) -> (0, 0, 0)>
module attributes {stable_mosaic.version = 14 : i64} {
  func.func @k(%arg0: i32, %arg1: i32, %arg2: memref<4096xi32, #tpu.memory_space<hbm>>, %arg3: memref<4096xi32, #tpu.memory_space<hbm>>, %arg4: memref<100000x64xf32, #tpu.memory_space<hbm>>, %arg5: memref<100000x64xf32, #tpu.memory_space<hbm>>, %arg6: memref<100000xf32, #tpu.memory_space<hbm>>, %arg7: memref<100000xf32, #tpu.memory_space<hbm>>, %arg8: memref<32x4x16xf32, #tpu.memory_space<hbm>>, %arg9: memref<128xi32, #tpu.memory_space<vmem>>, %arg10: memref<128xi32, #tpu.memory_space<vmem>>, %arg11: memref<128x64xf32, #tpu.memory_space<vmem>>, %arg12: memref<128x64xf32, #tpu.memory_space<vmem>>, %arg13: memref<128xf32, #tpu.memory_space<vmem>>, %arg14: memref<128xf32, #tpu.memory_space<vmem>>, %arg15: memref<4x16xf32, #tpu.memory_space<vmem>>, %arg16: memref<!tpu.dma_semaphore, #tpu.memory_space<semaphore_mem>>, %arg17: memref<!tpu.dma_semaphore, #tpu.memory_space<semaphore_mem>>, %arg18: memref<!tpu.dma_semaphore, #tpu.memory_space<semaphore_mem>>, %arg19: memref<!tpu.dma_semaphore, #tpu.memory_space<semaphore_mem>>) attributes {dimension_semantics = [#tpu.dimension_semantics<core_parallel>, #tpu.dimension_semantics<subcore_parallel>], iteration_bounds = array<i64: 2, 16>, scalar_prefetch = 0 : i64, scratch_operands = 11 : i64, tpu.core_type = #tpu.core_type<sc_vector_subcore>, window_params = [{transform_indices = #map}, {transform_indices = #map}, {transform_indices = #map1}, {transform_indices = #map1}, {transform_indices = #map}, {transform_indices = #map}, {transform_indices = #map2}]} {
    %mul3A = arith.constant 2 : i32
    %mul3A_0 = arith.muli %arg1, %mul3A : i32
    %add3A = arith.addi %mul3A_0, %arg0 : i32
    %mul3A_1 = arith.constant 128 : i32
    %mul3A_2 = arith.muli %add3A, %mul3A_1 : i32
    "tpu.region"() ({
      %run_scoped3A = tpu.sem_alloc : memref<!tpu.dma_semaphore, #tpu.memory_space<semaphore_mem>>
      %dma_start3A_195 = tpu.memref_slice %arg2[%mul3A_2] : memref<4096xi32, #tpu.memory_space<hbm>> -> memref<128xi32, #tpu.memory_space<hbm>>
      %dma_start3A_196 = tpu.memref_slice %arg2[%mul3A_2] : memref<4096xi32, #tpu.memory_space<hbm>> -> memref<128xi32, #tpu.memory_space<hbm>>
      tpu.enqueue_dma source(%dma_start3A_196 : memref<128xi32, #tpu.memory_space<hbm>>) target(%arg9 : memref<128xi32, #tpu.memory_space<vmem>>) target_semaphore(%run_scoped3A : memref<!tpu.dma_semaphore, #tpu.memory_space<semaphore_mem>>)
      %dma_wait3A_197 = tpu.memref_slice %arg2[%mul3A_2] : memref<4096xi32, #tpu.memory_space<hbm>> -> memref<128xi32, #tpu.memory_space<hbm>>
      %dma_wait3A_198 = tpu.memref_slice %arg2[%mul3A_2] : memref<4096xi32, #tpu.memory_space<hbm>> -> memref<128xi32, #tpu.memory_space<hbm>>
      tpu.wait_dma2 semaphore(%run_scoped3A : memref<!tpu.dma_semaphore, #tpu.memory_space<semaphore_mem>>) src(%dma_wait3A_198 : memref<128xi32, #tpu.memory_space<hbm>>) dst(%arg9 : memref<128xi32, #tpu.memory_space<vmem>>)
      tpu.yield
    }) : () -> ()
    "tpu.region"() ({
      %run_scoped3A = tpu.sem_alloc : memref<!tpu.dma_semaphore, #tpu.memory_space<semaphore_mem>>
      %dma_start3A_195 = tpu.memref_slice %arg3[%mul3A_2] : memref<4096xi32, #tpu.memory_space<hbm>> -> memref<128xi32, #tpu.memory_space<hbm>>
      %dma_start3A_196 = tpu.memref_slice %arg3[%mul3A_2] : memref<4096xi32, #tpu.memory_space<hbm>> -> memref<128xi32, #tpu.memory_space<hbm>>
      tpu.enqueue_dma source(%dma_start3A_196 : memref<128xi32, #tpu.memory_space<hbm>>) target(%arg10 : memref<128xi32, #tpu.memory_space<vmem>>) target_semaphore(%run_scoped3A : memref<!tpu.dma_semaphore, #tpu.memory_space<semaphore_mem>>)
      %dma_wait3A_197 = tpu.memref_slice %arg3[%mul3A_2] : memref<4096xi32, #tpu.memory_space<hbm>> -> memref<128xi32, #tpu.memory_space<hbm>>
      %dma_wait3A_198 = tpu.memref_slice %arg3[%mul3A_2] : memref<4096xi32, #tpu.memory_space<hbm>> -> memref<128xi32, #tpu.memory_space<hbm>>
      tpu.wait_dma2 semaphore(%run_scoped3A : memref<!tpu.dma_semaphore, #tpu.memory_space<semaphore_mem>>) src(%dma_wait3A_198 : memref<128xi32, #tpu.memory_space<hbm>>) dst(%arg10 : memref<128xi32, #tpu.memory_space<vmem>>)
      tpu.yield
    }) : () -> ()
    %dma_start3A = arith.constant 0 : i32
    %dma_start3A_3 = arith.constant 0 : i32
    %dma_start3A_4 = tpu.memref_slice %arg4[%dma_start3A, %dma_start3A_3] : memref<100000x64xf32, #tpu.memory_space<hbm>> -> memref<100000x64xf32, #tpu.memory_space<hbm>>
    tpu.enqueue_indirect_dma source(%dma_start3A_4 : memref<100000x64xf32, #tpu.memory_space<hbm>>) target(%arg11 : memref<128x64xf32, #tpu.memory_space<vmem>>) offsets(%arg9 : memref<128xi32, #tpu.memory_space<vmem>>) semaphore(%arg16 : memref<!tpu.dma_semaphore, #tpu.memory_space<semaphore_mem>>)
    %dma_start3A_5 = arith.constant 0 : i32
    %dma_start3A_6 = arith.constant 0 : i32
    %dma_start3A_7 = tpu.memref_slice %arg5[%dma_start3A_5, %dma_start3A_6] : memref<100000x64xf32, #tpu.memory_space<hbm>> -> memref<100000x64xf32, #tpu.memory_space<hbm>>
    tpu.enqueue_indirect_dma source(%dma_start3A_7 : memref<100000x64xf32, #tpu.memory_space<hbm>>) target(%arg12 : memref<128x64xf32, #tpu.memory_space<vmem>>) offsets(%arg10 : memref<128xi32, #tpu.memory_space<vmem>>) semaphore(%arg17 : memref<!tpu.dma_semaphore, #tpu.memory_space<semaphore_mem>>)
    %dma_start3A_8 = arith.constant 0 : i32
    %dma_start3A_9 = tpu.memref_slice %arg6[%dma_start3A_8] : memref<100000xf32, #tpu.memory_space<hbm>> -> memref<100000xf32, #tpu.memory_space<hbm>>
    tpu.enqueue_indirect_dma source(%dma_start3A_9 : memref<100000xf32, #tpu.memory_space<hbm>>) target(%arg13 : memref<128xf32, #tpu.memory_space<vmem>>) offsets(%arg9 : memref<128xi32, #tpu.memory_space<vmem>>) semaphore(%arg18 : memref<!tpu.dma_semaphore, #tpu.memory_space<semaphore_mem>>)
    %dma_start3A_10 = arith.constant 0 : i32
    %dma_start3A_11 = tpu.memref_slice %arg7[%dma_start3A_10] : memref<100000xf32, #tpu.memory_space<hbm>> -> memref<100000xf32, #tpu.memory_space<hbm>>
    tpu.enqueue_indirect_dma source(%dma_start3A_11 : memref<100000xf32, #tpu.memory_space<hbm>>) target(%arg14 : memref<128xf32, #tpu.memory_space<vmem>>) offsets(%arg10 : memref<128xi32, #tpu.memory_space<vmem>>) semaphore(%arg19 : memref<!tpu.dma_semaphore, #tpu.memory_space<semaphore_mem>>)
    %dma_wait3A = arith.constant 0 : i32
    %dma_wait3A_12 = arith.constant 0 : i32
    %dma_wait3A_13 = tpu.memref_slice %arg4[%dma_wait3A, %dma_wait3A_12] : memref<100000x64xf32, #tpu.memory_space<hbm>> -> memref<100000x64xf32, #tpu.memory_space<hbm>>
    tpu.wait_indirect_dma semaphore(%arg16 : memref<!tpu.dma_semaphore, #tpu.memory_space<semaphore_mem>>) src(%dma_wait3A_13 : memref<100000x64xf32, #tpu.memory_space<hbm>>) dst(%arg11 : memref<128x64xf32, #tpu.memory_space<vmem>>)
    %dma_wait3A_14 = arith.constant 0 : i32
    %dma_wait3A_15 = arith.constant 0 : i32
    %dma_wait3A_16 = tpu.memref_slice %arg5[%dma_wait3A_14, %dma_wait3A_15] : memref<100000x64xf32, #tpu.memory_space<hbm>> -> memref<100000x64xf32, #tpu.memory_space<hbm>>
    tpu.wait_indirect_dma semaphore(%arg17 : memref<!tpu.dma_semaphore, #tpu.memory_space<semaphore_mem>>) src(%dma_wait3A_16 : memref<100000x64xf32, #tpu.memory_space<hbm>>) dst(%arg12 : memref<128x64xf32, #tpu.memory_space<vmem>>)
    %dma_wait3A_17 = arith.constant 0 : i32
    %dma_wait3A_18 = tpu.memref_slice %arg6[%dma_wait3A_17] : memref<100000xf32, #tpu.memory_space<hbm>> -> memref<100000xf32, #tpu.memory_space<hbm>>
    tpu.wait_indirect_dma semaphore(%arg18 : memref<!tpu.dma_semaphore, #tpu.memory_space<semaphore_mem>>) src(%dma_wait3A_18 : memref<100000xf32, #tpu.memory_space<hbm>>) dst(%arg13 : memref<128xf32, #tpu.memory_space<vmem>>)
    %dma_wait3A_19 = arith.constant 0 : i32
    %dma_wait3A_20 = tpu.memref_slice %arg7[%dma_wait3A_19] : memref<100000xf32, #tpu.memory_space<hbm>> -> memref<100000xf32, #tpu.memory_space<hbm>>
    tpu.wait_indirect_dma semaphore(%arg19 : memref<!tpu.dma_semaphore, #tpu.memory_space<semaphore_mem>>) src(%dma_wait3A_20 : memref<100000xf32, #tpu.memory_space<hbm>>) dst(%arg14 : memref<128xf32, #tpu.memory_space<vmem>>)
    %iota3A = tpu.iota {dimensions = array<i32: 0>} : vector<16xi32>
    %broadcast_in_dim3A = arith.constant 0.000000e+00 : f32
    %broadcast_in_dim3A_21 = vector.broadcast %broadcast_in_dim3A : f32 to vector<16xf32>
    %add3A_22 = arith.constant 0 : i32
    %add3A_23 = vector.broadcast %add3A_22 : i32 to vector<16xi32>
    %add3A_24 = arith.addi %iota3A, %add3A_23 : vector<16xi32>
    %scan3A = arith.constant 0 : i32
    %scan3A_25 = arith.constant 16 : i32
    %scan3A_26 = arith.addi %scan3A, %scan3A_25 : i32
    %scan3A_27 = arith.constant 1 : i32
    %scan3A_28 = scf.for %scan3A_195 = %scan3A to %scan3A_26 step %scan3A_27 iter_args(%scan3A_196 = %broadcast_in_dim3A_21) -> (vector<16xf32>)  : i32 {
      %mul3A_197 = arith.constant 4 : i32
      %mul3A_198 = arith.muli %scan3A_195, %mul3A_197 : i32
      %add3A_199 = arith.constant 0 : i32
      %add3A_200 = arith.addi %mul3A_198, %add3A_199 : i32
      %broadcast_in_dim3A_201 = vector.broadcast %add3A_200 : i32 to vector<16xi32>
      %gather3A = tpu.vector_load_idx %arg11[%add3A_24, %broadcast_in_dim3A_201] : memref<128x64xf32, #tpu.memory_space<vmem>>[vector<16xi32>, vector<16xi32>], vector<16xf32>,
      %gather3A_202 = tpu.vector_load_idx %arg12[%add3A_24, %broadcast_in_dim3A_201] : memref<128x64xf32, #tpu.memory_space<vmem>>[vector<16xi32>, vector<16xi32>], vector<16xf32>,
      %mul3A_203 = arith.mulf %gather3A, %gather3A_202 : vector<16xf32>
      %add3A_204 = arith.addf %scan3A_196, %mul3A_203 : vector<16xf32>
      %mul3A_205 = arith.constant 4 : i32
      %mul3A_206 = arith.muli %scan3A_195, %mul3A_205 : i32
      %add3A_207 = arith.constant 1 : i32
      %add3A_208 = arith.addi %mul3A_206, %add3A_207 : i32
      %broadcast_in_dim3A_209 = vector.broadcast %add3A_208 : i32 to vector<16xi32>
      %gather3A_210 = tpu.vector_load_idx %arg11[%add3A_24, %broadcast_in_dim3A_209] : memref<128x64xf32, #tpu.memory_space<vmem>>[vector<16xi32>, vector<16xi32>], vector<16xf32>,
      %gather3A_211 = tpu.vector_load_idx %arg12[%add3A_24, %broadcast_in_dim3A_209] : memref<128x64xf32, #tpu.memory_space<vmem>>[vector<16xi32>, vector<16xi32>], vector<16xf32>,
      %mul3A_212 = arith.mulf %gather3A_210, %gather3A_211 : vector<16xf32>
      %add3A_213 = arith.addf %add3A_204, %mul3A_212 : vector<16xf32>
      %mul3A_214 = arith.constant 4 : i32
      %mul3A_215 = arith.muli %scan3A_195, %mul3A_214 : i32
      %add3A_216 = arith.constant 2 : i32
      %add3A_217 = arith.addi %mul3A_215, %add3A_216 : i32
      %broadcast_in_dim3A_218 = vector.broadcast %add3A_217 : i32 to vector<16xi32>
      %gather3A_219 = tpu.vector_load_idx %arg11[%add3A_24, %broadcast_in_dim3A_218] : memref<128x64xf32, #tpu.memory_space<vmem>>[vector<16xi32>, vector<16xi32>], vector<16xf32>,
      %gather3A_220 = tpu.vector_load_idx %arg12[%add3A_24, %broadcast_in_dim3A_218] : memref<128x64xf32, #tpu.memory_space<vmem>>[vector<16xi32>, vector<16xi32>], vector<16xf32>,
      %mul3A_221 = arith.mulf %gather3A_219, %gather3A_220 : vector<16xf32>
      %add3A_222 = arith.addf %add3A_213, %mul3A_221 : vector<16xf32>
      %mul3A_223 = arith.constant 4 : i32
      %mul3A_224 = arith.muli %scan3A_195, %mul3A_223 : i32
      %add3A_225 = arith.constant 3 : i32
      %add3A_226 = arith.addi %mul3A_224, %add3A_225 : i32
      %broadcast_in_dim3A_227 = vector.broadcast %add3A_226 : i32 to vector<16xi32>
      %gather3A_228 = tpu.vector_load_idx %arg11[%add3A_24, %broadcast_in_dim3A_227] : memref<128x64xf32, #tpu.memory_space<vmem>>[vector<16xi32>, vector<16xi32>], vector<16xf32>,
      %gather3A_229 = tpu.vector_load_idx %arg12[%add3A_24, %broadcast_in_dim3A_227] : memref<128x64xf32, #tpu.memory_space<vmem>>[vector<16xi32>, vector<16xi32>], vector<16xf32>,
      %mul3A_230 = arith.mulf %gather3A_228, %gather3A_229 : vector<16xf32>
      %add3A_231 = arith.addf %add3A_222, %mul3A_230 : vector<16xf32>
      scf.yield %add3A_231 : vector<16xf32>
    }
    %scan3A_29 = arith.constant 16 : i32
    %get3A = arith.constant 0 : index
    %get3A_30 = tpu.vector_load %arg13[%get3A] {strides = array<i32>} : memref<128xf32, #tpu.memory_space<vmem>>, vector<16xf32>,
    %get3A_31 = arith.constant 0 : index
    %get3A_32 = tpu.vector_load %arg14[%get3A_31] {strides = array<i32>} : memref<128xf32, #tpu.memory_space<vmem>>, vector<16xf32>,
    %add3A_33 = arith.addf %get3A_30, %get3A_32 : vector<16xf32>
    %add3A_34 = arith.addf %broadcast_in_dim3A_21, %scan3A_28 : vector<16xf32>
    %mul3A_35 = arith.mulf %scan3A_28, %scan3A_28 : vector<16xf32>
    %add3A_36 = arith.addf %broadcast_in_dim3A_21, %mul3A_35 : vector<16xf32>
    %add3A_37 = arith.addf %broadcast_in_dim3A_21, %add3A_33 : vector<16xf32>
    %mul3A_38 = arith.mulf %add3A_33, %add3A_33 : vector<16xf32>
    %add3A_39 = arith.addf %broadcast_in_dim3A_21, %mul3A_38 : vector<16xf32>
    %add3A_40 = arith.constant 16 : i32
    %add3A_41 = vector.broadcast %add3A_40 : i32 to vector<16xi32>
    %add3A_42 = arith.addi %iota3A, %add3A_41 : vector<16xi32>
    %scan3A_43 = arith.constant 0 : i32
    %scan3A_44 = arith.constant 16 : i32
    %scan3A_45 = arith.addi %scan3A_43, %scan3A_44 : i32
    %scan3A_46 = arith.constant 1 : i32
    %scan3A_47 = scf.for %scan3A_195 = %scan3A_43 to %scan3A_45 step %scan3A_46 iter_args(%scan3A_196 = %broadcast_in_dim3A_21) -> (vector<16xf32>)  : i32 {
      %mul3A_197 = arith.constant 4 : i32
      %mul3A_198 = arith.muli %scan3A_195, %mul3A_197 : i32
      %add3A_199 = arith.constant 0 : i32
      %add3A_200 = arith.addi %mul3A_198, %add3A_199 : i32
      %broadcast_in_dim3A_201 = vector.broadcast %add3A_200 : i32 to vector<16xi32>
      %gather3A = tpu.vector_load_idx %arg11[%add3A_42, %broadcast_in_dim3A_201] : memref<128x64xf32, #tpu.memory_space<vmem>>[vector<16xi32>, vector<16xi32>], vector<16xf32>,
      %gather3A_202 = tpu.vector_load_idx %arg12[%add3A_42, %broadcast_in_dim3A_201] : memref<128x64xf32, #tpu.memory_space<vmem>>[vector<16xi32>, vector<16xi32>], vector<16xf32>,
      %mul3A_203 = arith.mulf %gather3A, %gather3A_202 : vector<16xf32>
      %add3A_204 = arith.addf %scan3A_196, %mul3A_203 : vector<16xf32>
      %mul3A_205 = arith.constant 4 : i32
      %mul3A_206 = arith.muli %scan3A_195, %mul3A_205 : i32
      %add3A_207 = arith.constant 1 : i32
      %add3A_208 = arith.addi %mul3A_206, %add3A_207 : i32
      %broadcast_in_dim3A_209 = vector.broadcast %add3A_208 : i32 to vector<16xi32>
      %gather3A_210 = tpu.vector_load_idx %arg11[%add3A_42, %broadcast_in_dim3A_209] : memref<128x64xf32, #tpu.memory_space<vmem>>[vector<16xi32>, vector<16xi32>], vector<16xf32>,
      %gather3A_211 = tpu.vector_load_idx %arg12[%add3A_42, %broadcast_in_dim3A_209] : memref<128x64xf32, #tpu.memory_space<vmem>>[vector<16xi32>, vector<16xi32>], vector<16xf32>,
      %mul3A_212 = arith.mulf %gather3A_210, %gather3A_211 : vector<16xf32>
      %add3A_213 = arith.addf %add3A_204, %mul3A_212 : vector<16xf32>
      %mul3A_214 = arith.constant 4 : i32
      %mul3A_215 = arith.muli %scan3A_195, %mul3A_214 : i32
      %add3A_216 = arith.constant 2 : i32
      %add3A_217 = arith.addi %mul3A_215, %add3A_216 : i32
      %broadcast_in_dim3A_218 = vector.broadcast %add3A_217 : i32 to vector<16xi32>
      %gather3A_219 = tpu.vector_load_idx %arg11[%add3A_42, %broadcast_in_dim3A_218] : memref<128x64xf32, #tpu.memory_space<vmem>>[vector<16xi32>, vector<16xi32>], vector<16xf32>,
      %gather3A_220 = tpu.vector_load_idx %arg12[%add3A_42, %broadcast_in_dim3A_218] : memref<128x64xf32, #tpu.memory_space<vmem>>[vector<16xi32>, vector<16xi32>], vector<16xf32>,
      %mul3A_221 = arith.mulf %gather3A_219, %gather3A_220 : vector<16xf32>
      %add3A_222 = arith.addf %add3A_213, %mul3A_221 : vector<16xf32>
      %mul3A_223 = arith.constant 4 : i32
      %mul3A_224 = arith.muli %scan3A_195, %mul3A_223 : i32
      %add3A_225 = arith.constant 3 : i32
      %add3A_226 = arith.addi %mul3A_224, %add3A_225 : i32
      %broadcast_in_dim3A_227 = vector.broadcast %add3A_226 : i32 to vector<16xi32>
      %gather3A_228 = tpu.vector_load_idx %arg11[%add3A_42, %broadcast_in_dim3A_227] : memref<128x64xf32, #tpu.memory_space<vmem>>[vector<16xi32>, vector<16xi32>], vector<16xf32>,
      %gather3A_229 = tpu.vector_load_idx %arg12[%add3A_42, %broadcast_in_dim3A_227] : memref<128x64xf32, #tpu.memory_space<vmem>>[vector<16xi32>, vector<16xi32>], vector<16xf32>,
      %mul3A_230 = arith.mulf %gather3A_228, %gather3A_229 : vector<16xf32>
      %add3A_231 = arith.addf %add3A_222, %mul3A_230 : vector<16xf32>
      scf.yield %add3A_231 : vector<16xf32>
    }
    %scan3A_48 = arith.constant 16 : i32
    %get3A_49 = arith.constant 16 : index
    %get3A_50 = tpu.vector_load %arg13[%get3A_49] {strides = array<i32>} : memref<128xf32, #tpu.memory_space<vmem>>, vector<16xf32>,
    %get3A_51 = arith.constant 16 : index
    %get3A_52 = tpu.vector_load %arg14[%get3A_51] {strides = array<i32>} : memref<128xf32, #tpu.memory_space<vmem>>, vector<16xf32>,
    %add3A_53 = arith.addf %get3A_50, %get3A_52 : vector<16xf32>
    %add3A_54 = arith.addf %add3A_34, %scan3A_47 : vector<16xf32>
    %mul3A_55 = arith.mulf %scan3A_47, %scan3A_47 : vector<16xf32>
    %add3A_56 = arith.addf %add3A_36, %mul3A_55 : vector<16xf32>
    %add3A_57 = arith.addf %add3A_37, %add3A_53 : vector<16xf32>
    %mul3A_58 = arith.mulf %add3A_53, %add3A_53 : vector<16xf32>
    %add3A_59 = arith.addf %add3A_39, %mul3A_58 : vector<16xf32>
    %add3A_60 = arith.constant 32 : i32
    %add3A_61 = vector.broadcast %add3A_60 : i32 to vector<16xi32>
    %add3A_62 = arith.addi %iota3A, %add3A_61 : vector<16xi32>
    %scan3A_63 = arith.constant 0 : i32
    %scan3A_64 = arith.constant 16 : i32
    %scan3A_65 = arith.addi %scan3A_63, %scan3A_64 : i32
    %scan3A_66 = arith.constant 1 : i32
    %scan3A_67 = scf.for %scan3A_195 = %scan3A_63 to %scan3A_65 step %scan3A_66 iter_args(%scan3A_196 = %broadcast_in_dim3A_21) -> (vector<16xf32>)  : i32 {
      %mul3A_197 = arith.constant 4 : i32
      %mul3A_198 = arith.muli %scan3A_195, %mul3A_197 : i32
      %add3A_199 = arith.constant 0 : i32
      %add3A_200 = arith.addi %mul3A_198, %add3A_199 : i32
      %broadcast_in_dim3A_201 = vector.broadcast %add3A_200 : i32 to vector<16xi32>
      %gather3A = tpu.vector_load_idx %arg11[%add3A_62, %broadcast_in_dim3A_201] : memref<128x64xf32, #tpu.memory_space<vmem>>[vector<16xi32>, vector<16xi32>], vector<16xf32>,
      %gather3A_202 = tpu.vector_load_idx %arg12[%add3A_62, %broadcast_in_dim3A_201] : memref<128x64xf32, #tpu.memory_space<vmem>>[vector<16xi32>, vector<16xi32>], vector<16xf32>,
      %mul3A_203 = arith.mulf %gather3A, %gather3A_202 : vector<16xf32>
      %add3A_204 = arith.addf %scan3A_196, %mul3A_203 : vector<16xf32>
      %mul3A_205 = arith.constant 4 : i32
      %mul3A_206 = arith.muli %scan3A_195, %mul3A_205 : i32
      %add3A_207 = arith.constant 1 : i32
      %add3A_208 = arith.addi %mul3A_206, %add3A_207 : i32
      %broadcast_in_dim3A_209 = vector.broadcast %add3A_208 : i32 to vector<16xi32>
      %gather3A_210 = tpu.vector_load_idx %arg11[%add3A_62, %broadcast_in_dim3A_209] : memref<128x64xf32, #tpu.memory_space<vmem>>[vector<16xi32>, vector<16xi32>], vector<16xf32>,
      %gather3A_211 = tpu.vector_load_idx %arg12[%add3A_62, %broadcast_in_dim3A_209] : memref<128x64xf32, #tpu.memory_space<vmem>>[vector<16xi32>, vector<16xi32>], vector<16xf32>,
      %mul3A_212 = arith.mulf %gather3A_210, %gather3A_211 : vector<16xf32>
      %add3A_213 = arith.addf %add3A_204, %mul3A_212 : vector<16xf32>
      %mul3A_214 = arith.constant 4 : i32
      %mul3A_215 = arith.muli %scan3A_195, %mul3A_214 : i32
      %add3A_216 = arith.constant 2 : i32
      %add3A_217 = arith.addi %mul3A_215, %add3A_216 : i32
      %broadcast_in_dim3A_218 = vector.broadcast %add3A_217 : i32 to vector<16xi32>
      %gather3A_219 = tpu.vector_load_idx %arg11[%add3A_62, %broadcast_in_dim3A_218] : memref<128x64xf32, #tpu.memory_space<vmem>>[vector<16xi32>, vector<16xi32>], vector<16xf32>,
      %gather3A_220 = tpu.vector_load_idx %arg12[%add3A_62, %broadcast_in_dim3A_218] : memref<128x64xf32, #tpu.memory_space<vmem>>[vector<16xi32>, vector<16xi32>], vector<16xf32>,
      %mul3A_221 = arith.mulf %gather3A_219, %gather3A_220 : vector<16xf32>
      %add3A_222 = arith.addf %add3A_213, %mul3A_221 : vector<16xf32>
      %mul3A_223 = arith.constant 4 : i32
      %mul3A_224 = arith.muli %scan3A_195, %mul3A_223 : i32
      %add3A_225 = arith.constant 3 : i32
      %add3A_226 = arith.addi %mul3A_224, %add3A_225 : i32
      %broadcast_in_dim3A_227 = vector.broadcast %add3A_226 : i32 to vector<16xi32>
      %gather3A_228 = tpu.vector_load_idx %arg11[%add3A_62, %broadcast_in_dim3A_227] : memref<128x64xf32, #tpu.memory_space<vmem>>[vector<16xi32>, vector<16xi32>], vector<16xf32>,
      %gather3A_229 = tpu.vector_load_idx %arg12[%add3A_62, %broadcast_in_dim3A_227] : memref<128x64xf32, #tpu.memory_space<vmem>>[vector<16xi32>, vector<16xi32>], vector<16xf32>,
      %mul3A_230 = arith.mulf %gather3A_228, %gather3A_229 : vector<16xf32>
      %add3A_231 = arith.addf %add3A_222, %mul3A_230 : vector<16xf32>
      scf.yield %add3A_231 : vector<16xf32>
    }
    %scan3A_68 = arith.constant 16 : i32
    %get3A_69 = arith.constant 32 : index
    %get3A_70 = tpu.vector_load %arg13[%get3A_69] {strides = array<i32>} : memref<128xf32, #tpu.memory_space<vmem>>, vector<16xf32>,
    %get3A_71 = arith.constant 32 : index
    %get3A_72 = tpu.vector_load %arg14[%get3A_71] {strides = array<i32>} : memref<128xf32, #tpu.memory_space<vmem>>, vector<16xf32>,
    %add3A_73 = arith.addf %get3A_70, %get3A_72 : vector<16xf32>
    %add3A_74 = arith.addf %add3A_54, %scan3A_67 : vector<16xf32>
    %mul3A_75 = arith.mulf %scan3A_67, %scan3A_67 : vector<16xf32>
    %add3A_76 = arith.addf %add3A_56, %mul3A_75 : vector<16xf32>
    %add3A_77 = arith.addf %add3A_57, %add3A_73 : vector<16xf32>
    %mul3A_78 = arith.mulf %add3A_73, %add3A_73 : vector<16xf32>
    %add3A_79 = arith.addf %add3A_59, %mul3A_78 : vector<16xf32>
    %add3A_80 = arith.constant 48 : i32
    %add3A_81 = vector.broadcast %add3A_80 : i32 to vector<16xi32>
    %add3A_82 = arith.addi %iota3A, %add3A_81 : vector<16xi32>
    %scan3A_83 = arith.constant 0 : i32
    %scan3A_84 = arith.constant 16 : i32
    %scan3A_85 = arith.addi %scan3A_83, %scan3A_84 : i32
    %scan3A_86 = arith.constant 1 : i32
    %scan3A_87 = scf.for %scan3A_195 = %scan3A_83 to %scan3A_85 step %scan3A_86 iter_args(%scan3A_196 = %broadcast_in_dim3A_21) -> (vector<16xf32>)  : i32 {
      %mul3A_197 = arith.constant 4 : i32
      %mul3A_198 = arith.muli %scan3A_195, %mul3A_197 : i32
      %add3A_199 = arith.constant 0 : i32
      %add3A_200 = arith.addi %mul3A_198, %add3A_199 : i32
      %broadcast_in_dim3A_201 = vector.broadcast %add3A_200 : i32 to vector<16xi32>
      %gather3A = tpu.vector_load_idx %arg11[%add3A_82, %broadcast_in_dim3A_201] : memref<128x64xf32, #tpu.memory_space<vmem>>[vector<16xi32>, vector<16xi32>], vector<16xf32>,
      %gather3A_202 = tpu.vector_load_idx %arg12[%add3A_82, %broadcast_in_dim3A_201] : memref<128x64xf32, #tpu.memory_space<vmem>>[vector<16xi32>, vector<16xi32>], vector<16xf32>,
      %mul3A_203 = arith.mulf %gather3A, %gather3A_202 : vector<16xf32>
      %add3A_204 = arith.addf %scan3A_196, %mul3A_203 : vector<16xf32>
      %mul3A_205 = arith.constant 4 : i32
      %mul3A_206 = arith.muli %scan3A_195, %mul3A_205 : i32
      %add3A_207 = arith.constant 1 : i32
      %add3A_208 = arith.addi %mul3A_206, %add3A_207 : i32
      %broadcast_in_dim3A_209 = vector.broadcast %add3A_208 : i32 to vector<16xi32>
      %gather3A_210 = tpu.vector_load_idx %arg11[%add3A_82, %broadcast_in_dim3A_209] : memref<128x64xf32, #tpu.memory_space<vmem>>[vector<16xi32>, vector<16xi32>], vector<16xf32>,
      %gather3A_211 = tpu.vector_load_idx %arg12[%add3A_82, %broadcast_in_dim3A_209] : memref<128x64xf32, #tpu.memory_space<vmem>>[vector<16xi32>, vector<16xi32>], vector<16xf32>,
      %mul3A_212 = arith.mulf %gather3A_210, %gather3A_211 : vector<16xf32>
      %add3A_213 = arith.addf %add3A_204, %mul3A_212 : vector<16xf32>
      %mul3A_214 = arith.constant 4 : i32
      %mul3A_215 = arith.muli %scan3A_195, %mul3A_214 : i32
      %add3A_216 = arith.constant 2 : i32
      %add3A_217 = arith.addi %mul3A_215, %add3A_216 : i32
      %broadcast_in_dim3A_218 = vector.broadcast %add3A_217 : i32 to vector<16xi32>
      %gather3A_219 = tpu.vector_load_idx %arg11[%add3A_82, %broadcast_in_dim3A_218] : memref<128x64xf32, #tpu.memory_space<vmem>>[vector<16xi32>, vector<16xi32>], vector<16xf32>,
      %gather3A_220 = tpu.vector_load_idx %arg12[%add3A_82, %broadcast_in_dim3A_218] : memref<128x64xf32, #tpu.memory_space<vmem>>[vector<16xi32>, vector<16xi32>], vector<16xf32>,
      %mul3A_221 = arith.mulf %gather3A_219, %gather3A_220 : vector<16xf32>
      %add3A_222 = arith.addf %add3A_213, %mul3A_221 : vector<16xf32>
      %mul3A_223 = arith.constant 4 : i32
      %mul3A_224 = arith.muli %scan3A_195, %mul3A_223 : i32
      %add3A_225 = arith.constant 3 : i32
      %add3A_226 = arith.addi %mul3A_224, %add3A_225 : i32
      %broadcast_in_dim3A_227 = vector.broadcast %add3A_226 : i32 to vector<16xi32>
      %gather3A_228 = tpu.vector_load_idx %arg11[%add3A_82, %broadcast_in_dim3A_227] : memref<128x64xf32, #tpu.memory_space<vmem>>[vector<16xi32>, vector<16xi32>], vector<16xf32>,
      %gather3A_229 = tpu.vector_load_idx %arg12[%add3A_82, %broadcast_in_dim3A_227] : memref<128x64xf32, #tpu.memory_space<vmem>>[vector<16xi32>, vector<16xi32>], vector<16xf32>,
      %mul3A_230 = arith.mulf %gather3A_228, %gather3A_229 : vector<16xf32>
      %add3A_231 = arith.addf %add3A_222, %mul3A_230 : vector<16xf32>
      scf.yield %add3A_231 : vector<16xf32>
    }
    %scan3A_88 = arith.constant 16 : i32
    %get3A_89 = arith.constant 48 : index
    %get3A_90 = tpu.vector_load %arg13[%get3A_89] {strides = array<i32>} : memref<128xf32, #tpu.memory_space<vmem>>, vector<16xf32>,
    %get3A_91 = arith.constant 48 : index
    %get3A_92 = tpu.vector_load %arg14[%get3A_91] {strides = array<i32>} : memref<128xf32, #tpu.memory_space<vmem>>, vector<16xf32>,
    %add3A_93 = arith.addf %get3A_90, %get3A_92 : vector<16xf32>
    %add3A_94 = arith.addf %add3A_74, %scan3A_87 : vector<16xf32>
    %mul3A_95 = arith.mulf %scan3A_87, %scan3A_87 : vector<16xf32>
    %add3A_96 = arith.addf %add3A_76, %mul3A_95 : vector<16xf32>
    %add3A_97 = arith.addf %add3A_77, %add3A_93 : vector<16xf32>
    %mul3A_98 = arith.mulf %add3A_93, %add3A_93 : vector<16xf32>
    %add3A_99 = arith.addf %add3A_79, %mul3A_98 : vector<16xf32>
    %add3A_100 = arith.constant 64 : i32
    %add3A_101 = vector.broadcast %add3A_100 : i32 to vector<16xi32>
    %add3A_102 = arith.addi %iota3A, %add3A_101 : vector<16xi32>
    %scan3A_103 = arith.constant 0 : i32
    %scan3A_104 = arith.constant 16 : i32
    %scan3A_105 = arith.addi %scan3A_103, %scan3A_104 : i32
    %scan3A_106 = arith.constant 1 : i32
    %scan3A_107 = scf.for %scan3A_195 = %scan3A_103 to %scan3A_105 step %scan3A_106 iter_args(%scan3A_196 = %broadcast_in_dim3A_21) -> (vector<16xf32>)  : i32 {
      %mul3A_197 = arith.constant 4 : i32
      %mul3A_198 = arith.muli %scan3A_195, %mul3A_197 : i32
      %add3A_199 = arith.constant 0 : i32
      %add3A_200 = arith.addi %mul3A_198, %add3A_199 : i32
      %broadcast_in_dim3A_201 = vector.broadcast %add3A_200 : i32 to vector<16xi32>
      %gather3A = tpu.vector_load_idx %arg11[%add3A_102, %broadcast_in_dim3A_201] : memref<128x64xf32, #tpu.memory_space<vmem>>[vector<16xi32>, vector<16xi32>], vector<16xf32>,
      %gather3A_202 = tpu.vector_load_idx %arg12[%add3A_102, %broadcast_in_dim3A_201] : memref<128x64xf32, #tpu.memory_space<vmem>>[vector<16xi32>, vector<16xi32>], vector<16xf32>,
      %mul3A_203 = arith.mulf %gather3A, %gather3A_202 : vector<16xf32>
      %add3A_204 = arith.addf %scan3A_196, %mul3A_203 : vector<16xf32>
      %mul3A_205 = arith.constant 4 : i32
      %mul3A_206 = arith.muli %scan3A_195, %mul3A_205 : i32
      %add3A_207 = arith.constant 1 : i32
      %add3A_208 = arith.addi %mul3A_206, %add3A_207 : i32
      %broadcast_in_dim3A_209 = vector.broadcast %add3A_208 : i32 to vector<16xi32>
      %gather3A_210 = tpu.vector_load_idx %arg11[%add3A_102, %broadcast_in_dim3A_209] : memref<128x64xf32, #tpu.memory_space<vmem>>[vector<16xi32>, vector<16xi32>], vector<16xf32>,
      %gather3A_211 = tpu.vector_load_idx %arg12[%add3A_102, %broadcast_in_dim3A_209] : memref<128x64xf32, #tpu.memory_space<vmem>>[vector<16xi32>, vector<16xi32>], vector<16xf32>,
      %mul3A_212 = arith.mulf %gather3A_210, %gather3A_211 : vector<16xf32>
      %add3A_213 = arith.addf %add3A_204, %mul3A_212 : vector<16xf32>
      %mul3A_214 = arith.constant 4 : i32
      %mul3A_215 = arith.muli %scan3A_195, %mul3A_214 : i32
      %add3A_216 = arith.constant 2 : i32
      %add3A_217 = arith.addi %mul3A_215, %add3A_216 : i32
      %broadcast_in_dim3A_218 = vector.broadcast %add3A_217 : i32 to vector<16xi32>
      %gather3A_219 = tpu.vector_load_idx %arg11[%add3A_102, %broadcast_in_dim3A_218] : memref<128x64xf32, #tpu.memory_space<vmem>>[vector<16xi32>, vector<16xi32>], vector<16xf32>,
      %gather3A_220 = tpu.vector_load_idx %arg12[%add3A_102, %broadcast_in_dim3A_218] : memref<128x64xf32, #tpu.memory_space<vmem>>[vector<16xi32>, vector<16xi32>], vector<16xf32>,
      %mul3A_221 = arith.mulf %gather3A_219, %gather3A_220 : vector<16xf32>
      %add3A_222 = arith.addf %add3A_213, %mul3A_221 : vector<16xf32>
      %mul3A_223 = arith.constant 4 : i32
      %mul3A_224 = arith.muli %scan3A_195, %mul3A_223 : i32
      %add3A_225 = arith.constant 3 : i32
      %add3A_226 = arith.addi %mul3A_224, %add3A_225 : i32
      %broadcast_in_dim3A_227 = vector.broadcast %add3A_226 : i32 to vector<16xi32>
      %gather3A_228 = tpu.vector_load_idx %arg11[%add3A_102, %broadcast_in_dim3A_227] : memref<128x64xf32, #tpu.memory_space<vmem>>[vector<16xi32>, vector<16xi32>], vector<16xf32>,
      %gather3A_229 = tpu.vector_load_idx %arg12[%add3A_102, %broadcast_in_dim3A_227] : memref<128x64xf32, #tpu.memory_space<vmem>>[vector<16xi32>, vector<16xi32>], vector<16xf32>,
      %mul3A_230 = arith.mulf %gather3A_228, %gather3A_229 : vector<16xf32>
      %add3A_231 = arith.addf %add3A_222, %mul3A_230 : vector<16xf32>
      scf.yield %add3A_231 : vector<16xf32>
    }
    %scan3A_108 = arith.constant 16 : i32
    %get3A_109 = arith.constant 64 : index
    %get3A_110 = tpu.vector_load %arg13[%get3A_109] {strides = array<i32>} : memref<128xf32, #tpu.memory_space<vmem>>, vector<16xf32>,
    %get3A_111 = arith.constant 64 : index
    %get3A_112 = tpu.vector_load %arg14[%get3A_111] {strides = array<i32>} : memref<128xf32, #tpu.memory_space<vmem>>, vector<16xf32>,
    %add3A_113 = arith.addf %get3A_110, %get3A_112 : vector<16xf32>
    %add3A_114 = arith.addf %add3A_94, %scan3A_107 : vector<16xf32>
    %mul3A_115 = arith.mulf %scan3A_107, %scan3A_107 : vector<16xf32>
    %add3A_116 = arith.addf %add3A_96, %mul3A_115 : vector<16xf32>
    %add3A_117 = arith.addf %add3A_97, %add3A_113 : vector<16xf32>
    %mul3A_118 = arith.mulf %add3A_113, %add3A_113 : vector<16xf32>
    %add3A_119 = arith.addf %add3A_99, %mul3A_118 : vector<16xf32>
    %add3A_120 = arith.constant 80 : i32
    %add3A_121 = vector.broadcast %add3A_120 : i32 to vector<16xi32>
    %add3A_122 = arith.addi %iota3A, %add3A_121 : vector<16xi32>
    %scan3A_123 = arith.constant 0 : i32
    %scan3A_124 = arith.constant 16 : i32
    %scan3A_125 = arith.addi %scan3A_123, %scan3A_124 : i32
    %scan3A_126 = arith.constant 1 : i32
    %scan3A_127 = scf.for %scan3A_195 = %scan3A_123 to %scan3A_125 step %scan3A_126 iter_args(%scan3A_196 = %broadcast_in_dim3A_21) -> (vector<16xf32>)  : i32 {
      %mul3A_197 = arith.constant 4 : i32
      %mul3A_198 = arith.muli %scan3A_195, %mul3A_197 : i32
      %add3A_199 = arith.constant 0 : i32
      %add3A_200 = arith.addi %mul3A_198, %add3A_199 : i32
      %broadcast_in_dim3A_201 = vector.broadcast %add3A_200 : i32 to vector<16xi32>
      %gather3A = tpu.vector_load_idx %arg11[%add3A_122, %broadcast_in_dim3A_201] : memref<128x64xf32, #tpu.memory_space<vmem>>[vector<16xi32>, vector<16xi32>], vector<16xf32>,
      %gather3A_202 = tpu.vector_load_idx %arg12[%add3A_122, %broadcast_in_dim3A_201] : memref<128x64xf32, #tpu.memory_space<vmem>>[vector<16xi32>, vector<16xi32>], vector<16xf32>,
      %mul3A_203 = arith.mulf %gather3A, %gather3A_202 : vector<16xf32>
      %add3A_204 = arith.addf %scan3A_196, %mul3A_203 : vector<16xf32>
      %mul3A_205 = arith.constant 4 : i32
      %mul3A_206 = arith.muli %scan3A_195, %mul3A_205 : i32
      %add3A_207 = arith.constant 1 : i32
      %add3A_208 = arith.addi %mul3A_206, %add3A_207 : i32
      %broadcast_in_dim3A_209 = vector.broadcast %add3A_208 : i32 to vector<16xi32>
      %gather3A_210 = tpu.vector_load_idx %arg11[%add3A_122, %broadcast_in_dim3A_209] : memref<128x64xf32, #tpu.memory_space<vmem>>[vector<16xi32>, vector<16xi32>], vector<16xf32>,
      %gather3A_211 = tpu.vector_load_idx %arg12[%add3A_122, %broadcast_in_dim3A_209] : memref<128x64xf32, #tpu.memory_space<vmem>>[vector<16xi32>, vector<16xi32>], vector<16xf32>,
      %mul3A_212 = arith.mulf %gather3A_210, %gather3A_211 : vector<16xf32>
      %add3A_213 = arith.addf %add3A_204, %mul3A_212 : vector<16xf32>
      %mul3A_214 = arith.constant 4 : i32
      %mul3A_215 = arith.muli %scan3A_195, %mul3A_214 : i32
      %add3A_216 = arith.constant 2 : i32
      %add3A_217 = arith.addi %mul3A_215, %add3A_216 : i32
      %broadcast_in_dim3A_218 = vector.broadcast %add3A_217 : i32 to vector<16xi32>
      %gather3A_219 = tpu.vector_load_idx %arg11[%add3A_122, %broadcast_in_dim3A_218] : memref<128x64xf32, #tpu.memory_space<vmem>>[vector<16xi32>, vector<16xi32>], vector<16xf32>,
      %gather3A_220 = tpu.vector_load_idx %arg12[%add3A_122, %broadcast_in_dim3A_218] : memref<128x64xf32, #tpu.memory_space<vmem>>[vector<16xi32>, vector<16xi32>], vector<16xf32>,
      %mul3A_221 = arith.mulf %gather3A_219, %gather3A_220 : vector<16xf32>
      %add3A_222 = arith.addf %add3A_213, %mul3A_221 : vector<16xf32>
      %mul3A_223 = arith.constant 4 : i32
      %mul3A_224 = arith.muli %scan3A_195, %mul3A_223 : i32
      %add3A_225 = arith.constant 3 : i32
      %add3A_226 = arith.addi %mul3A_224, %add3A_225 : i32
      %broadcast_in_dim3A_227 = vector.broadcast %add3A_226 : i32 to vector<16xi32>
      %gather3A_228 = tpu.vector_load_idx %arg11[%add3A_122, %broadcast_in_dim3A_227] : memref<128x64xf32, #tpu.memory_space<vmem>>[vector<16xi32>, vector<16xi32>], vector<16xf32>,
      %gather3A_229 = tpu.vector_load_idx %arg12[%add3A_122, %broadcast_in_dim3A_227] : memref<128x64xf32, #tpu.memory_space<vmem>>[vector<16xi32>, vector<16xi32>], vector<16xf32>,
      %mul3A_230 = arith.mulf %gather3A_228, %gather3A_229 : vector<16xf32>
      %add3A_231 = arith.addf %add3A_222, %mul3A_230 : vector<16xf32>
      scf.yield %add3A_231 : vector<16xf32>
    }
    %scan3A_128 = arith.constant 16 : i32
    %get3A_129 = arith.constant 80 : index
    %get3A_130 = tpu.vector_load %arg13[%get3A_129] {strides = array<i32>} : memref<128xf32, #tpu.memory_space<vmem>>, vector<16xf32>,
    %get3A_131 = arith.constant 80 : index
    %get3A_132 = tpu.vector_load %arg14[%get3A_131] {strides = array<i32>} : memref<128xf32, #tpu.memory_space<vmem>>, vector<16xf32>,
    %add3A_133 = arith.addf %get3A_130, %get3A_132 : vector<16xf32>
    %add3A_134 = arith.addf %add3A_114, %scan3A_127 : vector<16xf32>
    %mul3A_135 = arith.mulf %scan3A_127, %scan3A_127 : vector<16xf32>
    %add3A_136 = arith.addf %add3A_116, %mul3A_135 : vector<16xf32>
    %add3A_137 = arith.addf %add3A_117, %add3A_133 : vector<16xf32>
    %mul3A_138 = arith.mulf %add3A_133, %add3A_133 : vector<16xf32>
    %add3A_139 = arith.addf %add3A_119, %mul3A_138 : vector<16xf32>
    %add3A_140 = arith.constant 96 : i32
    %add3A_141 = vector.broadcast %add3A_140 : i32 to vector<16xi32>
    %add3A_142 = arith.addi %iota3A, %add3A_141 : vector<16xi32>
    %scan3A_143 = arith.constant 0 : i32
    %scan3A_144 = arith.constant 16 : i32
    %scan3A_145 = arith.addi %scan3A_143, %scan3A_144 : i32
    %scan3A_146 = arith.constant 1 : i32
    %scan3A_147 = scf.for %scan3A_195 = %scan3A_143 to %scan3A_145 step %scan3A_146 iter_args(%scan3A_196 = %broadcast_in_dim3A_21) -> (vector<16xf32>)  : i32 {
      %mul3A_197 = arith.constant 4 : i32
      %mul3A_198 = arith.muli %scan3A_195, %mul3A_197 : i32
      %add3A_199 = arith.constant 0 : i32
      %add3A_200 = arith.addi %mul3A_198, %add3A_199 : i32
      %broadcast_in_dim3A_201 = vector.broadcast %add3A_200 : i32 to vector<16xi32>
      %gather3A = tpu.vector_load_idx %arg11[%add3A_142, %broadcast_in_dim3A_201] : memref<128x64xf32, #tpu.memory_space<vmem>>[vector<16xi32>, vector<16xi32>], vector<16xf32>,
      %gather3A_202 = tpu.vector_load_idx %arg12[%add3A_142, %broadcast_in_dim3A_201] : memref<128x64xf32, #tpu.memory_space<vmem>>[vector<16xi32>, vector<16xi32>], vector<16xf32>,
      %mul3A_203 = arith.mulf %gather3A, %gather3A_202 : vector<16xf32>
      %add3A_204 = arith.addf %scan3A_196, %mul3A_203 : vector<16xf32>
      %mul3A_205 = arith.constant 4 : i32
      %mul3A_206 = arith.muli %scan3A_195, %mul3A_205 : i32
      %add3A_207 = arith.constant 1 : i32
      %add3A_208 = arith.addi %mul3A_206, %add3A_207 : i32
      %broadcast_in_dim3A_209 = vector.broadcast %add3A_208 : i32 to vector<16xi32>
      %gather3A_210 = tpu.vector_load_idx %arg11[%add3A_142, %broadcast_in_dim3A_209] : memref<128x64xf32, #tpu.memory_space<vmem>>[vector<16xi32>, vector<16xi32>], vector<16xf32>,
      %gather3A_211 = tpu.vector_load_idx %arg12[%add3A_142, %broadcast_in_dim3A_209] : memref<128x64xf32, #tpu.memory_space<vmem>>[vector<16xi32>, vector<16xi32>], vector<16xf32>,
      %mul3A_212 = arith.mulf %gather3A_210, %gather3A_211 : vector<16xf32>
      %add3A_213 = arith.addf %add3A_204, %mul3A_212 : vector<16xf32>
      %mul3A_214 = arith.constant 4 : i32
      %mul3A_215 = arith.muli %scan3A_195, %mul3A_214 : i32
      %add3A_216 = arith.constant 2 : i32
      %add3A_217 = arith.addi %mul3A_215, %add3A_216 : i32
      %broadcast_in_dim3A_218 = vector.broadcast %add3A_217 : i32 to vector<16xi32>
      %gather3A_219 = tpu.vector_load_idx %arg11[%add3A_142, %broadcast_in_dim3A_218] : memref<128x64xf32, #tpu.memory_space<vmem>>[vector<16xi32>, vector<16xi32>], vector<16xf32>,
      %gather3A_220 = tpu.vector_load_idx %arg12[%add3A_142, %broadcast_in_dim3A_218] : memref<128x64xf32, #tpu.memory_space<vmem>>[vector<16xi32>, vector<16xi32>], vector<16xf32>,
      %mul3A_221 = arith.mulf %gather3A_219, %gather3A_220 : vector<16xf32>
      %add3A_222 = arith.addf %add3A_213, %mul3A_221 : vector<16xf32>
      %mul3A_223 = arith.constant 4 : i32
      %mul3A_224 = arith.muli %scan3A_195, %mul3A_223 : i32
      %add3A_225 = arith.constant 3 : i32
      %add3A_226 = arith.addi %mul3A_224, %add3A_225 : i32
      %broadcast_in_dim3A_227 = vector.broadcast %add3A_226 : i32 to vector<16xi32>
      %gather3A_228 = tpu.vector_load_idx %arg11[%add3A_142, %broadcast_in_dim3A_227] : memref<128x64xf32, #tpu.memory_space<vmem>>[vector<16xi32>, vector<16xi32>], vector<16xf32>,
      %gather3A_229 = tpu.vector_load_idx %arg12[%add3A_142, %broadcast_in_dim3A_227] : memref<128x64xf32, #tpu.memory_space<vmem>>[vector<16xi32>, vector<16xi32>], vector<16xf32>,
      %mul3A_230 = arith.mulf %gather3A_228, %gather3A_229 : vector<16xf32>
      %add3A_231 = arith.addf %add3A_222, %mul3A_230 : vector<16xf32>
      scf.yield %add3A_231 : vector<16xf32>
    }
    %scan3A_148 = arith.constant 16 : i32
    %get3A_149 = arith.constant 96 : index
    %get3A_150 = tpu.vector_load %arg13[%get3A_149] {strides = array<i32>} : memref<128xf32, #tpu.memory_space<vmem>>, vector<16xf32>,
    %get3A_151 = arith.constant 96 : index
    %get3A_152 = tpu.vector_load %arg14[%get3A_151] {strides = array<i32>} : memref<128xf32, #tpu.memory_space<vmem>>, vector<16xf32>,
    %add3A_153 = arith.addf %get3A_150, %get3A_152 : vector<16xf32>
    %add3A_154 = arith.addf %add3A_134, %scan3A_147 : vector<16xf32>
    %mul3A_155 = arith.mulf %scan3A_147, %scan3A_147 : vector<16xf32>
    %add3A_156 = arith.addf %add3A_136, %mul3A_155 : vector<16xf32>
    %add3A_157 = arith.addf %add3A_137, %add3A_153 : vector<16xf32>
    %mul3A_158 = arith.mulf %add3A_153, %add3A_153 : vector<16xf32>
    %add3A_159 = arith.addf %add3A_139, %mul3A_158 : vector<16xf32>
    %add3A_160 = arith.constant 112 : i32
    %add3A_161 = vector.broadcast %add3A_160 : i32 to vector<16xi32>
    %add3A_162 = arith.addi %iota3A, %add3A_161 : vector<16xi32>
    %scan3A_163 = arith.constant 0 : i32
    %scan3A_164 = arith.constant 16 : i32
    %scan3A_165 = arith.addi %scan3A_163, %scan3A_164 : i32
    %scan3A_166 = arith.constant 1 : i32
    %scan3A_167 = scf.for %scan3A_195 = %scan3A_163 to %scan3A_165 step %scan3A_166 iter_args(%scan3A_196 = %broadcast_in_dim3A_21) -> (vector<16xf32>)  : i32 {
      %mul3A_197 = arith.constant 4 : i32
      %mul3A_198 = arith.muli %scan3A_195, %mul3A_197 : i32
      %add3A_199 = arith.constant 0 : i32
      %add3A_200 = arith.addi %mul3A_198, %add3A_199 : i32
      %broadcast_in_dim3A_201 = vector.broadcast %add3A_200 : i32 to vector<16xi32>
      %gather3A = tpu.vector_load_idx %arg11[%add3A_162, %broadcast_in_dim3A_201] : memref<128x64xf32, #tpu.memory_space<vmem>>[vector<16xi32>, vector<16xi32>], vector<16xf32>,
      %gather3A_202 = tpu.vector_load_idx %arg12[%add3A_162, %broadcast_in_dim3A_201] : memref<128x64xf32, #tpu.memory_space<vmem>>[vector<16xi32>, vector<16xi32>], vector<16xf32>,
      %mul3A_203 = arith.mulf %gather3A, %gather3A_202 : vector<16xf32>
      %add3A_204 = arith.addf %scan3A_196, %mul3A_203 : vector<16xf32>
      %mul3A_205 = arith.constant 4 : i32
      %mul3A_206 = arith.muli %scan3A_195, %mul3A_205 : i32
      %add3A_207 = arith.constant 1 : i32
      %add3A_208 = arith.addi %mul3A_206, %add3A_207 : i32
      %broadcast_in_dim3A_209 = vector.broadcast %add3A_208 : i32 to vector<16xi32>
      %gather3A_210 = tpu.vector_load_idx %arg11[%add3A_162, %broadcast_in_dim3A_209] : memref<128x64xf32, #tpu.memory_space<vmem>>[vector<16xi32>, vector<16xi32>], vector<16xf32>,
      %gather3A_211 = tpu.vector_load_idx %arg12[%add3A_162, %broadcast_in_dim3A_209] : memref<128x64xf32, #tpu.memory_space<vmem>>[vector<16xi32>, vector<16xi32>], vector<16xf32>,
      %mul3A_212 = arith.mulf %gather3A_210, %gather3A_211 : vector<16xf32>
      %add3A_213 = arith.addf %add3A_204, %mul3A_212 : vector<16xf32>
      %mul3A_214 = arith.constant 4 : i32
      %mul3A_215 = arith.muli %scan3A_195, %mul3A_214 : i32
      %add3A_216 = arith.constant 2 : i32
      %add3A_217 = arith.addi %mul3A_215, %add3A_216 : i32
      %broadcast_in_dim3A_218 = vector.broadcast %add3A_217 : i32 to vector<16xi32>
      %gather3A_219 = tpu.vector_load_idx %arg11[%add3A_162, %broadcast_in_dim3A_218] : memref<128x64xf32, #tpu.memory_space<vmem>>[vector<16xi32>, vector<16xi32>], vector<16xf32>,
      %gather3A_220 = tpu.vector_load_idx %arg12[%add3A_162, %broadcast_in_dim3A_218] : memref<128x64xf32, #tpu.memory_space<vmem>>[vector<16xi32>, vector<16xi32>], vector<16xf32>,
      %mul3A_221 = arith.mulf %gather3A_219, %gather3A_220 : vector<16xf32>
      %add3A_222 = arith.addf %add3A_213, %mul3A_221 : vector<16xf32>
      %mul3A_223 = arith.constant 4 : i32
      %mul3A_224 = arith.muli %scan3A_195, %mul3A_223 : i32
      %add3A_225 = arith.constant 3 : i32
      %add3A_226 = arith.addi %mul3A_224, %add3A_225 : i32
      %broadcast_in_dim3A_227 = vector.broadcast %add3A_226 : i32 to vector<16xi32>
      %gather3A_228 = tpu.vector_load_idx %arg11[%add3A_162, %broadcast_in_dim3A_227] : memref<128x64xf32, #tpu.memory_space<vmem>>[vector<16xi32>, vector<16xi32>], vector<16xf32>,
      %gather3A_229 = tpu.vector_load_idx %arg12[%add3A_162, %broadcast_in_dim3A_227] : memref<128x64xf32, #tpu.memory_space<vmem>>[vector<16xi32>, vector<16xi32>], vector<16xf32>,
      %mul3A_230 = arith.mulf %gather3A_228, %gather3A_229 : vector<16xf32>
      %add3A_231 = arith.addf %add3A_222, %mul3A_230 : vector<16xf32>
      scf.yield %add3A_231 : vector<16xf32>
    }
    %scan3A_168 = arith.constant 16 : i32
    %get3A_169 = arith.constant 112 : index
    %get3A_170 = tpu.vector_load %arg13[%get3A_169] {strides = array<i32>} : memref<128xf32, #tpu.memory_space<vmem>>, vector<16xf32>,
    %get3A_171 = arith.constant 112 : index
    %get3A_172 = tpu.vector_load %arg14[%get3A_171] {strides = array<i32>} : memref<128xf32, #tpu.memory_space<vmem>>, vector<16xf32>,
    %add3A_173 = arith.addf %get3A_170, %get3A_172 : vector<16xf32>
    %add3A_174 = arith.addf %add3A_154, %scan3A_167 : vector<16xf32>
    %mul3A_175 = arith.mulf %scan3A_167, %scan3A_167 : vector<16xf32>
    %add3A_176 = arith.addf %add3A_156, %mul3A_175 : vector<16xf32>
    %add3A_177 = arith.addf %add3A_157, %add3A_173 : vector<16xf32>
    %mul3A_178 = arith.mulf %add3A_173, %add3A_173 : vector<16xf32>
    %add3A_179 = arith.addf %add3A_159, %mul3A_178 : vector<16xf32>
    %swap3A = arith.constant 0 : i32
    %swap3A_180 = arith.index_cast %swap3A : i32 to index
    %swap3A_181 = arith.constant 0 : index
    %swap3A_182 = tpu.vector_load %arg15[%swap3A_180, %swap3A_181] {strides = array<i32>} : memref<4x16xf32, #tpu.memory_space<vmem>>, vector<16xf32>,
    tpu.vector_store %arg15[%swap3A_180, %swap3A_181], %add3A_174 {strides = array<i32>} : memref<4x16xf32, #tpu.memory_space<vmem>>, vector<16xf32>,
    %swap3A_183 = arith.constant 1 : i32
    %swap3A_184 = arith.index_cast %swap3A_183 : i32 to index
    %swap3A_185 = arith.constant 0 : index
    %swap3A_186 = tpu.vector_load %arg15[%swap3A_184, %swap3A_185] {strides = array<i32>} : memref<4x16xf32, #tpu.memory_space<vmem>>, vector<16xf32>,
    tpu.vector_store %arg15[%swap3A_184, %swap3A_185], %add3A_176 {strides = array<i32>} : memref<4x16xf32, #tpu.memory_space<vmem>>, vector<16xf32>,
    %swap3A_187 = arith.constant 2 : i32
    %swap3A_188 = arith.index_cast %swap3A_187 : i32 to index
    %swap3A_189 = arith.constant 0 : index
    %swap3A_190 = tpu.vector_load %arg15[%swap3A_188, %swap3A_189] {strides = array<i32>} : memref<4x16xf32, #tpu.memory_space<vmem>>, vector<16xf32>,
    tpu.vector_store %arg15[%swap3A_188, %swap3A_189], %add3A_177 {strides = array<i32>} : memref<4x16xf32, #tpu.memory_space<vmem>>, vector<16xf32>,
    %swap3A_191 = arith.constant 3 : i32
    %swap3A_192 = arith.index_cast %swap3A_191 : i32 to index
    %swap3A_193 = arith.constant 0 : index
    %swap3A_194 = tpu.vector_load %arg15[%swap3A_192, %swap3A_193] {strides = array<i32>} : memref<4x16xf32, #tpu.memory_space<vmem>>, vector<16xf32>,
    tpu.vector_store %arg15[%swap3A_192, %swap3A_193], %add3A_179 {strides = array<i32>} : memref<4x16xf32, #tpu.memory_space<vmem>>, vector<16xf32>,
    "tpu.region"() ({
      %run_scoped3A = tpu.sem_alloc : memref<!tpu.dma_semaphore, #tpu.memory_space<semaphore_mem>>
      %dma_start3A_195 = arith.constant 0 : i32
      %dma_start3A_196 = arith.constant 0 : i32
      %dma_start3A_197 = tpu.memref_slice %arg8[%add3A, %dma_start3A_195, %dma_start3A_196] : memref<32x4x16xf32, #tpu.memory_space<hbm>> -> memref<1x4x16xf32, #tpu.memory_space<hbm>>
      %dma_start3A_198 = tpu.memref_squeeze %dma_start3A_197 : memref<1x4x16xf32, #tpu.memory_space<hbm>> -> memref<4x16xf32, #tpu.memory_space<hbm>>
      %dma_start3A_199 = arith.constant 0 : i32
      %dma_start3A_200 = arith.constant 0 : i32
      %dma_start3A_201 = tpu.memref_slice %arg8[%add3A, %dma_start3A_199, %dma_start3A_200] : memref<32x4x16xf32, #tpu.memory_space<hbm>> -> memref<1x4x16xf32, #tpu.memory_space<hbm>>
      %dma_start3A_202 = tpu.memref_squeeze %dma_start3A_201 : memref<1x4x16xf32, #tpu.memory_space<hbm>> -> memref<4x16xf32, #tpu.memory_space<hbm>>
      tpu.enqueue_dma source(%arg15 : memref<4x16xf32, #tpu.memory_space<vmem>>) target(%dma_start3A_202 : memref<4x16xf32, #tpu.memory_space<hbm>>) target_semaphore(%run_scoped3A : memref<!tpu.dma_semaphore, #tpu.memory_space<semaphore_mem>>)
      %dma_wait3A_203 = arith.constant 0 : i32
      %dma_wait3A_204 = arith.constant 0 : i32
      %dma_wait3A_205 = tpu.memref_slice %arg8[%add3A, %dma_wait3A_203, %dma_wait3A_204] : memref<32x4x16xf32, #tpu.memory_space<hbm>> -> memref<1x4x16xf32, #tpu.memory_space<hbm>>
      %dma_wait3A_206 = tpu.memref_squeeze %dma_wait3A_205 : memref<1x4x16xf32, #tpu.memory_space<hbm>> -> memref<4x16xf32, #tpu.memory_space<hbm>>
      %dma_wait3A_207 = arith.constant 0 : i32
      %dma_wait3A_208 = arith.constant 0 : i32
      %dma_wait3A_209 = tpu.memref_slice %arg8[%add3A, %dma_wait3A_207, %dma_wait3A_208] : memref<32x4x16xf32, #tpu.memory_space<hbm>> -> memref<1x4x16xf32, #tpu.memory_space<hbm>>
      %dma_wait3A_210 = tpu.memref_squeeze %dma_wait3A_209 : memref<1x4x16xf32, #tpu.memory_space<hbm>> -> memref<4x16xf32, #tpu.memory_space<hbm>>
      tpu.wait_dma2 semaphore(%run_scoped3A : memref<!tpu.dma_semaphore, #tpu.memory_space<semaphore_mem>>) src(%arg15 : memref<4x16xf32, #tpu.memory_space<vmem>>) dst(%dma_wait3A_210 : memref<4x16xf32, #tpu.memory_space<hbm>>)
      tpu.yield
    }) : () -> ()
    return
  }
}

</mosaic_0001>

<sc_bundles>
// kernel: kernel.3.cloned.1.call-start
scs
__scs_entry_jumppad:
0x0: {  	(pc) =	sbr.rel $0x88, $3  }
0x1: {  	(tag) =	ssettag $0x0;
	lr =	simm.s32 $0x1  }
0x2: {  	[smem:$0x3F9A] =	sst lr;
	_ =	strace $0xD0000000  }
0x3: {  	_ = 	snop  }
0x4: {  	_ = 	snop  }
0x5: {  	_ = 	snop  }
0x6: {  	_ = 	snop  }
0x7: {  	_ = 	snop  }
__scs_overlays_trampoline_lowered:
0x8: {  	[smem:$0x3FA9] =	sst s0  }
0x9: {  	[smem:$0x3FAA] =	sst s1  }
0xa: {  	[smem:$0x3FAB] =	sst s2  }
0xb: {  	[smem:$0x3FAC] =	sst s3  }
0xc: {  	[smem:$0x3FAD] =	sst s4  }
0xd: {  	[smem:$0x3FAE] =	sst s5  }
0xe: {  	[smem:$0x3FAF] =	sst s6  }
0xf: {  	[smem:$0x3FB0] =	sst s7  }
0x10: {  	[smem:$0x3FB1] =	sst s8  }
0x11: {  	[smem:$0x3FB2] =	sst s9;
	s0 =	simm.s32 @!p0 $0x0  }
0x12: {  	s1 =	sld [smem:$0x3F98];
	s0 =	simm.s32 @p0 $0x1  }
0x13: {  	[smem:$0x3FB3] =	sst s0;
	s0 =	simm.s32 @!p1 $0x0  }
0x14: {  	s2 =	sld [smem:$0x3F97];
	s0 =	simm.s32 @p1 $0x1  }
0x15: {  	[smem:$0x3FB4] =	sst s0;
	s0 =	simm.s32 @!p2 $0x0  }
0x16: {  	s3 =	sld [smem:$0x3FDB];
	s0 =	simm.s32 @p2 $0x1  }
0x17: {  	s4 =	simm.s32 $0x1BF5;
	[smem:$0x3FB6] =	sst s0  }
0x18: {  	s0 =	sld [smem:$0x3F99];
	_ =	swait.ge [sflag:s4], $0x0  }
0x19: {  	s7 =	sld [smem:$0x3F9A]  }
0x1a: {  	s8 =	sadd.s32 $0xFFFFE003, lr  }
0x1b: {  	s9 =	sadd.s32 $0xFFFFFEF7, lr;
	s5 =	simm.s32 $0xFFFFFFFF;
	p2 =	slt.u32 s8, $0xFFFFF086  }
0x1c: {  	p1 =	slt.u32 s9, $0xF7A;
	s5 =	simm.s32 @!p2 $0x0  }
0x1d: {  	s5 =	simm.s32 @p1 $0x1;
	p0 =	seq.s32 s7, s2  }
0x1e: {  	s7 =	smul.u32 @!p0 $0xF7A, s2;
	p2 =	seq.s32 @!p0 s5, $0x0  }
0x1f: {  	s9 =	smul.u32 $0xF7A, s1;
	s8 =	simm.s32 @!p0 $0x1BF5;
	p2 =	por !p2, p0  }
0x20: {  	[sflag:s8] =	ssyncset.s32 @!p0 $0xFFFFF086;
	s6 =	sadd.s32 @!p0 s3, s7;
	s7 =	simm.s32 @!p0 $0x108  }
0x21: {  	s3 =	sadd.s32 s3, s9;
	s6 =	sadd.s32 @!p0 $0x88, s6;
	s7 =	simm.s32 @p2 $0x1082  }
0x22: {  	[simem:s7], [sflag:s8] =	dma.local @!p0 [hbm:s6], $0xF7A  }
0x23: {  	s9 =	sor.u32 $0xD0000000, s2;
	s6 =	simm.s32 $0x108;
	_ =	swait.ge @!p0 [sflag:s8], $0x0  }
0x24: {  	s3 =	sadd.s32 $0x88, s3;
	s6 =	simm.s32 @!p1 $0x1082;
	[sflag:s4] =	ssyncset.s32 $0xFFFFF086  }
0x25: {  	[simem:s6], [sflag:s4] =	dma.local [hbm:s3], $0xF7A  }
0x26: {  	[smem:$0x3F9A] =	sst s1;
	(tag) =	ssettag s2;
	_ =	strace s9  }
0x27: {  	s1 =	sld [smem:$0x3FAA]  }
0x28: {  	s2 =	sld [smem:$0x3FAB]  }
0x29: {  	s4 =	sld [smem:$0x3FAD]  }
0x2a: {  	p0 =	seq.s32 s5, $0x0;
	s5 =	sld [smem:$0x3FAE]  }
0x2b: {  	s6 =	sld [smem:$0x3FAF]  }
0x2c: {  	s7 =	sld [smem:$0x3FB0]  }
0x2d: {  	s3 =	simm.s32 $0x108;
	s8 =	sld [smem:$0x3FB1]  }
0x2e: {  	s3 =	simm.s32 @!p0 $0x1082;
	s9 =	sld [smem:$0x3FB2]  }
0x2f: {  	lr =	sadd.s32 s0, s3;
	s0 =	sld [smem:$0x3FA9]  }
0x30: {  	s3 =	sld [smem:$0x3FAC]  }
0x31: {  	[smem:$0x3FB5] =	sst s10  }
0x32: {  	s10 =	sld [smem:$0x3FB3];
	_ =	sdelay $0x3  }
0x33: {  	p0 =	seq.s32 s10, $0x1;
	s10 =	sld [smem:$0x3FB5];
	_ =	sdelay $0x3  }
0x34: {  	[smem:$0x3FB5] =	sst s10  }
0x35: {  	s10 =	sld [smem:$0x3FB4];
	_ =	sdelay $0x3  }
0x36: {  	p1 =	seq.s32 s10, $0x1;
	s10 =	sld [smem:$0x3FB5];
	_ =	sdelay $0x3  }
0x37: {  	[smem:$0x3FB5] =	sst s10  }
0x38: {  	s10 =	sld [smem:$0x3FB6]  }
0x39: {  	_ = 	snop;
	(pc) =	sbr.ind lr, $3  }
0x3a: {  	_ = 	snop  }
0x3b: {  	_ = 	snop  }
0x3c: {  	p2 =	seq.s32 s10, $0x1;
	s10 =	sld [smem:$0x3FB5]  }
0x3d: {  	_ =	shalt  }
0x3e: {  	_ =	shalt  }
0x3f: {  	_ =	shalt  }
0x40: {  	_ =	shalt  }
0x41: {  	_ =	shalt  }
0x42: {  	_ =	shalt  }
0x43: {  	_ =	shalt  }
0x44: {  	_ =	shalt  }
0x45: {  	_ =	shalt  }
0x46: {  	_ =	shalt  }
0x47: {  	_ =	shalt  }
0x48: {  	_ =	shalt  }
0x49: {  	_ =	shalt  }
0x4a: {  	_ =	shalt  }
0x4b: {  	_ =	shalt  }
0x4c: {  	_ =	shalt  }
0x4d: {  	_ =	shalt  }
0x4e: {  	_ =	shalt  }
0x4f: {  	_ =	shalt  }
0x50: {  	_ =	shalt  }
0x51: {  	_ =	shalt  }
0x52: {  	_ =	shalt  }
0x53: {  	_ =	shalt  }
0x54: {  	_ =	shalt  }
0x55: {  	_ =	shalt  }
0x56: {  	_ =	shalt  }
0x57: {  	_ =	shalt  }
0x58: {  	_ =	shalt  }
0x59: {  	_ =	shalt  }
0x5a: {  	_ =	shalt  }
0x5b: {  	_ =	shalt  }
0x5c: {  	_ =	shalt  }
0x5d: {  	_ =	shalt  }
0x5e: {  	_ =	shalt  }
0x5f: {  	_ =	shalt  }
0x60: {  	_ =	shalt  }
0x61: {  	_ =	shalt  }
0x62: {  	_ =	shalt  }
0x63: {  	_ =	shalt  }
0x64: {  	_ =	shalt  }
0x65: {  	_ =	shalt  }
0x66: {  	_ =	shalt  }
0x67: {  	_ =	shalt  }
0x68: {  	_ =	shalt  }
0x69: {  	_ =	shalt  }
0x6a: {  	_ =	shalt  }
0x6b: {  	_ =	shalt  }
0x6c: {  	_ =	shalt  }
0x6d: {  	_ =	shalt  }
0x6e: {  	_ =	shalt  }
0x6f: {  	_ =	shalt  }
0x70: {  	_ =	shalt  }
0x71: {  	_ =	shalt  }
0x72: {  	_ =	shalt  }
0x73: {  	_ =	shalt  }
0x74: {  	_ =	shalt  }
0x75: {  	_ =	shalt  }
0x76: {  	_ =	shalt  }
0x77: {  	_ =	shalt  }
0x78: {  	_ =	shalt  }
0x79: {  	_ =	shalt  }
0x7a: {  	_ =	shalt  }
0x7b: {  	_ =	shalt  }
0x7c: {  	_ =	shalt  }
0x7d: {  	_ =	shalt  }
0x7e: {  	_ =	shalt  }
0x7f: {  	_ =	shalt  }
0x80: {  	_ =	shalt  }
0x81: {  	_ =	shalt  }
0x82: {  	_ =	shalt  }
0x83: {  	_ =	shalt  }
0x84: {  	_ =	shalt  }
0x85: {  	_ =	shalt  }
0x86: {  	_ =	shalt  }
0x87: {  	_ =	shalt  }
.Lfunc_end0:
.L_simem_size_0:
called_computation_lowered:
.L_overlay_start_0:
0x88: {  	s2 =	sld [smem:$0x3FD9]  }
0x89: {  	s3 =	sld [smem:$0x3FFE];
	_ =	sdelay $0x1  }
0x8a: {  	s1 =	srdreg.scid  }
0x8b: {  	s0 =	sand.u32 $0x1, s1  }
0x8c: {  	s17 =	sshll.u32 s0, $0xA;
	s2 =	sadd.s32 s3, s2  }
0x8d: {  	s2 =	sadd.s32 s2, s17  }
0x8e: {  	[smem:$0x3FC1] =	sst s2  }
0x8f: {  	_ = 	snop  }
0x90: {  	s2 =	sld [smem:$0x3FC9]  }
0x91: {  	s18 =	sld [smem:$0x3FC8];
	(tm) =	ssettm $0x1  }
0x92: {  	s4 =	sld [smem:$0x3FFB];
	_ =	sdelay $0x3  }
0x93: {  	_ =	strace s4  }
0x94: {  	s4 =	sld [smem:$0x3FFC];
	_ =	sdelay $0x3  }
0x95: {  	_ =	strace s4  }
0x96: {  	s4 =	sld [smem:$0x3FFD];
	_ =	sdelay $0x3  }
0x97: {  	_ =	strace s4  }
0x98: {  	_ =	strace $0x8FFFFFFF  }
0x99: {  	s19 =	sld [smem:$0x3FDB];
	_ =	sdelay $0x1  }
0x9a: {  	s5 =	simm.s32 $_scs_section_size  }
0x9b: {  	s6 =	simm.s32 $_size__tile_overlayer_lowered;
	s7 =	simm.s32 $_tile_overlayer_lowered  }
0x9c: {  	s22 =	simm.s32 $0x1BFF;
	s21 =	sshll.u32 s7, $0x1;
	s4 =	sadd.s32 s5, s19  }
0x9d: {  	s8 =	simm.s32 $0x0;
	s20 =	sshll.u32 s6, $0x1;
	s6 =	sadd.s32 s21, s4  }
0x9e: {  	[timem:s8], [sflag:s22] =	dma.local [hbm:s6], s20  }
0x9f: {  	_ =	swait.ge [sflag:s22], s20  }
0xa0: {  	s5 =	ssub.s32 $0x0, s20;
	[sflag:s22] =	ssyncset.done $0x0  }
0xa1: {  	[sflag:s22] =	ssyncadd.s32 s5;
	_ =	sdelay $0x1  }
0xa2: {  	s23 =	simm.s32 $0x1B8B  }
0xa3: {  	_ =	swait.ge [sflag:s23], $0x1  }
0xa4: {  	[sflag:s23] =	ssyncset.done $0x0  }
0xa5: {  	s25 =	simm.s32 $0x1B8E;
	s24 =	sld [smem:$0x3FFE];
	[sflag:s23] =	ssyncadd.s32 $0xFFFFFFFF  }
0xa6: {  	s26 =	simm.s32 $execute0_lowered;
	[smem:$0x3FD2] =	sst s25  }
0xa7: {  	s6 =	sshll.u32 s26, $0x1;
	_ =	strace $0x80000046;
	[dreg:$0x1] =	wrdreg $0xFFFFFFFF  }
0xa8: {  	s28 =	simm.s32 $_size_execute0_lowered;
	s4 =	sadd.s32 s4, s6;
	[dreg:$0x0] =	wrdreg $0x0  }
0xa9: {  	s6 =	sshll.u32 s28, $0x1;
	[dreg:$0x2] =	wrdreg s4  }
0xaa: {  	[dreg:$0x3] =	wrdreg s6  }
0xab: {  	[dreg:$0x4] =	wrdreg $0xC0  }
0xac: {  	_ =	task [dreg:s8], $0x5FFFF  }
0xad: {  	[dreg:$0x1] =	wrdreg $0xFFFFFFFF  }
0xae: {  	[dreg:$0x0] =	wrdreg $0x60  }
0xaf: {  	[dreg:$0x2] =	wrdreg s2  }
0xb0: {  	[dreg:$0x3] =	wrdreg s18  }
0xb1: {  	[dreg:$0x4] =	wrdreg s24  }
0xb2: {  	[dreg:$0x5] =	wrdreg $0x9  }
0xb3: {  	_ =	task.clear_ibuf [dreg:s8], $0x6FFFF;
	_ =	strace $0x90000046  }
0xb4: {  	s29 =	simm.s32 $0x9;
	_ =	strace $0x80000048  }
0xb5: {  	_ =	swait.ge [sflag:s29], $0x1  }
0xb6: {  	[sflag:s29] =	ssyncadd.s32 $0xFFFFFFFF  }
0xb7: {  	_ =	strace $0x90000048  }
0xb8: {  	_ =	sfence  }
0xb9: {  	s30 =	sld [smem:$0x0];
	_ =	sdelay $0x2  }
0xba: {  	s31 =	sshll.u32 s1, $0xD;
	s1 =	sshrl.u32 s1, $0x2  }
0xbb: {  	s3 =	sand.u32 $0x4000, s31;
	s1 =	sadd.s32 s1, s30  }
0xbc: {  	s0 =	sor.u32 s3, s0;
	s1 =	sshll.u32 s1, $0x11  }
0xbd: {  	s0 =	sor.u32 s1, s0  }
0xbe: {  	s0 =	sadd.s32 $0x8F2B, s0  }
0xbf: {  	[sflag:s0] =	ssyncadd.remote.s32 $0x1  }
0xc0: {  	_ =	sfence.sel $0xFFFF  }
0xc1: {  	[dreg:$0x0] =	wrdreg $0xFFFFFFFF;
	(pc) =	sbr.abs _section_cstart, $3  }
0xc2: {  	[dreg:$0x1] =	wrdreg $0xFFFFFFFF  }
0xc3: {  	_ =	task.clear_ibuf [dreg:s8], $0x2FFFF;
	_ =	strace $0x9FFFFFFF  }
0xc4: {  	(tm) =	ssettm $0x7FFFFFFF  }
0xc5: {  	_ =	shalt  }
tec
execute0_lowered:
.L_overlay_start_1:
0x0: {  	(tag) =	ssettag $0x1  }
0x1: {  	s7 =	rddreg [dreg:$0x0]  }
0x2: {  	s8 =	rddreg [dreg:$0x1]  }
0x3: {  	s9 =	rddreg [dreg:$0x2]  }
0x4: {  	s0 =	rddreg [dreg:$0x3];
	s1 =	simm.s32 $0x0  }
0x5: {  	s6 =	srdreg.scid;
	s2 =	stileid.u32;
	s14 =	simm.s32 $0x2100  }
0x6: {  	s15 =	simm.s32 $0x4100;
	s16 =	simm.s32 $0x4180;
	s17 =	simm.s32 $0x1  }
0x7: {  	s18 =	simm.s32 $0x2;
	s19 =	simm.s32 $0x3;
	s20 =	simm.s32 $0x4  }
0x8: {  	s21 =	simm.s32 $0x4200;
	s22 =	simm.s32 $0x0;
	[smem:$0x7FF] =	sst s1  }
0x9: {  	s3 =	sadd.s32 $0x24B600, s9;
	s4 =	sadd.s32 $0x188000, s9;
	s5 =	sadd.s32 $0x4800, s9  }
0xa: {  	s10 =	sand.u32 $0x1, s6;
	s11 =	sshll.u32 s2, $0x1;
	s6 =	sadd.s32 $0x1600, s9  }
0xb: {  	v0 =	vlaneseq.u32;
	_ =	strace $0x80000047;
	s11 =	sor.u32 s10, s11;
	s10 =	ssub.s32 $0x2, s10  }
0xc: {  	v0 =	vmul.u32 $0x40, v0;
	s12 =	sshll.u32 s11, $0x3;
	s13 =	sshrl.u32 s10, $0x1;
	s11 =	sshll.u32 s11, $0x4  }
0xd: {  	s9 =	sadd.s32 s12, s9;
	s10 =	ssub.s32 s10, s13;
	s7 =	sadd.s32 s7, s11  }
0xe: {  	v1 =	vor.u32 $0x400, v0;
	v2 =	vor.u32 $0x800, v0;
	v3 =	vor.u32 $0xC00, v0;
	s8 =	sadd.s32 s8, s11;
	s11 =	simm.s32 $0x5;
	s12 =	simm.s32 $0x80  }
0xf: {  	v4 =	vor.u32 $0x1000, v0;
	v5 =	vor.u32 $0x1400, v0;
	v6 =	vor.u32 $0x1800, v0;
	s13 =	simm.s32 $0x100;
	s9 =	sadd.s32 $0x7A00, s9;
	s10 =	smax.u32 s10, $0x1  }
.LBB2_1:
0x10: {  	[tilespmem:s1], [sflag:$0x5] =	stream.linear.gather [hbm4b:s7+s1], $0x80, $0x38;
	[tilespmem:$0x4240] =	vst v63  }
0x11: {  	_ =	swait.ge [sflag:s11], $0x80  }
0x12: {  	[sflag:s11] =	ssyncset.done $0x0  }
0x13: {  	[sflag:s11] =	ssyncadd.s32 $0xFFFFFF80  }
0x14: {  	[tilespmem:s12], [sflag:$0x5] =	stream.linear.gather [hbm4b:s8+s1], $0x80, $0x38;
	[tilespmem:$0x4240] =	vst v63  }
0x15: {  	_ =	swait.ge [sflag:s11], $0x80  }
0x16: {  	[sflag:s11] =	ssyncset.done $0x0  }
0x17: {  	[sflag:s11] =	ssyncadd.s32 $0xFFFFFF80  }
0x18: {  	[tilespmem:s13], [sflag:$0x1] =	stream.indirect.gather [hbm4b:s3+s12], $0x40, s1, s12, $0xb8;
	[tilespmem:$0x4240] =	vst v63  }
0x19: {  	_ = 	snop  }
0x1a: {  	[tilespmem:s14], [sflag:$0x2] =	stream.indirect.gather [hbm4b:s4+s12], $0x40, s12, s12, $0xb8;
	[tilespmem:$0x4240] =	vst v63  }
0x1b: {  	_ = 	snop  }
0x1c: {  	[tilespmem:s15], [sflag:$0x3] =	stream.indirect.gather [hbm4b:s5+s12], $0x1, s1, s12, $0xb8;
	[tilespmem:$0x4240] =	vst v63  }
0x1d: {  	_ = 	snop  }
0x1e: {  	[tilespmem:s16], [sflag:$0x4] =	stream.indirect.gather [hbm4b:s6+s12], $0x1, s12, s12, $0xb8;
	[tilespmem:$0x4240] =	vst v63  }
0x1f: {  	_ =	swait.ge [sflag:s17], $0x2000  }
0x20: {  	[sflag:s17] =	ssyncset.done $0x0  }
0x21: {  	[sflag:s17] =	ssyncadd.s32 $0xFFFFE000  }
0x22: {  	v7 =	vmov s1;
	_ =	swait.ge [sflag:s18], $0x2000  }
0x23: {  	s23 =	simm.s32 $0x1;
	v7 =	vand.u32 $0x3C, v7;
	[sflag:s18] =	ssyncset.done $0x0  }
0x24: {  	v8 =	vmov s23;
	v7 =	vbroadcast v7, $0x0;
	[sflag:s18] =	ssyncadd.s32 $0xFFFFE000  }
0x25: {  	s24 =	simm.s32 $0x2;
	v8 =	vand.u32 $0x3D, v8;
	_ =	swait.ge [sflag:s19], $0x80  }
0x26: {  	v9 =	vmov s24;
	v8 =	vbroadcast v8, $0x0;
	v7 =	vor.u32 v0, v7;
	[sflag:s19] =	ssyncset.done $0x0  }
0x27: {  	s25 =	simm.s32 $0x3;
	v9 =	vand.u32 $0x3E, v9;
	[sflag:s19] =	ssyncadd.s32 $0xFFFFFF80  }
0x28: {  	v10 =	vmov s25;
	v9 =	vbroadcast v9, $0x0;
	v8 =	vor.u32 v0, v8;
	_ =	swait.ge [sflag:s20], $0x80  }
0x29: {  	s26 =	simm.s32 $0x4;
	v10 =	vand.u32 $0x3F, v10;
	[sflag:s20] =	ssyncset.done $0x0  }
0x2a: {  	v11 =	vmov s26;
	v10 =	vbroadcast v10, $0x0;
	v9 =	vor.u32 v0, v9;
	[sflag:s20] =	ssyncadd.s32 $0xFFFFFF80  }
0x2b: {  	s28 =	simm.s32 $0x5;
	v11 =	vand.u32 $0x3C, v11;
	v13 =	vld.idx.msk [tilespmem:v7+s13+$0x0], $0xffff  }
0x2c: {  	v11 =	vbroadcast v11, $0x0;
	v18 =	vor.u32 v0, v10;
	v10 =	vmov s28;
	v16 =	vld.idx.msk [tilespmem:v7+s14+$0x0], $0xffff  }
0x2d: {  	s29 =	simm.s32 $0x6;
	v12 =	vand.u32 $0x3D, v10;
	v7 =	vld.idx.msk [tilespmem:v8+s13+$0x0], $0xffff  }
0x2e: {  	v14 =	vmov s29;
	s24 =	simm.s32 $0x7;
	s23 =	simm.s32 $0x8;
	v10 =	vor.u32 v0, v11;
	v12 =	vbroadcast v12, $0x0;
	v11 =	vld.idx.msk [tilespmem:v8+s14+$0x0], $0xffff  }
0x2f: {  	v14 =	vand.u32 $0x3E, v14;
	v15 =	vmov s24;
	v19 =	vmov s23;
	v8 =	vld.idx.msk [tilespmem:v9+s13+$0x0], $0xffff  }
0x30: {  	s30 =	simm.s32 $0x9;
	v20 =	vbroadcast v14, $0x0;
	v21 =	vand.u32 $0x3F, v15;
	v14 =	vor.u32 v0, v12;
	v15 =	vld.idx.msk [tilespmem:v9+s14+$0x0], $0xffff  }
0x31: {  	v17 =	vimm.f32 $0.0e+00;
	v24 =	vmov s30;
	v23 =	vand.u32 $0x3C, v19;
	v9 =	vld.idx.msk [tilespmem:v18+s13+$0x0], $0xffff  }
0x32: {  	s31 =	simm.s32 $0xA;
	v19 =	vbroadcast v21, $0x0;
	v12 =	vor.u32 v0, v20;
	v22 =	vmul.f32 v16, v13;
	v16 =	vld.idx.msk [tilespmem:v18+s14+$0x0], $0xffff  }
0x33: {  	s24 =	simm.s32 $0xC;
	v21 =	vand.u32 $0x3D, v24;
	v20 =	vmov s31;
	v18 =	vbroadcast v23, $0x0;
	v13 =	vld.idx.msk [tilespmem:v10+s13+$0x0], $0xffff  }
.LBB2_2:
0x34: {  	p0 =	sne.s32 s24, $0x3C;
	s25 =	sadd.s32 $0x3, s23;
	v23 =	vld.idx.msk [tilespmem:v10+s14+$0x0], $0xffff;
	v24 =	vor.u32 v0, v19;
	v17 =	vadd.f32 v22, v17;
	v19 =	vmul.f32 v11, v7;
	s23 =	smov.u32 s24  }
0x35: {  	v21 =	vbroadcast v21, $0x0;
	v20 =	vand.u32 $0x3E, v20;
	v22 =	vmov s25;
	v7 =	vld.idx.msk [tilespmem:v14+s13+$0x0], $0xffff  }
0x36: {  	v10 =	vor.u32 v0, v18;
	v18 =	vmul.f32 v15, v8;
	v11 =	vld.idx.msk [tilespmem:v14+s14+$0x0], $0xffff;
	v17 =	vadd.f32 v19, v17  }
.Ltmp0:
0x37: {  	v20 =	vbroadcast v20, $0x0;
	v19 =	vmov s24;
	v22 =	vand.u32 $0x3F, v22;
	v8 =	vld.idx.msk [tilespmem:v12+s13+$0x0], $0xffff;
	(pc) =	sbr.rel @p0 .LBB2_2-.Ltmp0, $4  }
0x38: {  	s25 =	sadd.s32 $0x1, s24;
	v14 =	vor.u32 v0, v21;
	v15 =	vld.idx.msk [tilespmem:v12+s14+$0x0], $0xffff;
	v17 =	vadd.f32 v18, v17;
	v18 =	vmul.f32 v16, v9  }
0x39: {  	v25 =	vmov s25;
	v21 =	vand.u32 $0x3C, v19;
	v19 =	vbroadcast v22, $0x0;
	v9 =	vld.idx.msk [tilespmem:v24+s13+$0x0], $0xffff  }
0x3a: {  	s25 =	sadd.s32 $0x2, s24;
	v12 =	vor.u32 v0, v20;
	v22 =	vmul.f32 v23, v13;
	v16 =	vld.idx.msk [tilespmem:v24+s14+$0x0], $0xffff;
	v17 =	vadd.f32 v18, v17  }
0x3b: {  	s24 =	sadd.s32 $0x4, s24;
	v20 =	vmov s25;
	v18 =	vbroadcast v21, $0x0;
	v21 =	vand.u32 $0x3D, v25;
	v13 =	vld.idx.msk [tilespmem:v10+s13+$0x0], $0xffff  }
0x3c: {  	_ =	sdelay $0x2  }
0x3d: {  	v17 =	vadd.f32 v22, v17;
	v7 =	vmul.f32 v11, v7  }
0x3e: {  	v10 =	vld.idx.msk [tilespmem:v10+s14+$0x0], $0xffff;
	v11 =	vor.u32 v0, v19  }
0x3f: {  	v19 =	vld.idx.msk [tilespmem:v14+s13+$0x0], $0xffff;
	v8 =	vmul.f32 v15, v8;
	v7 =	vadd.f32 v7, v17  }
0x40: {  	v14 =	vld.idx.msk [tilespmem:v14+s14+$0x0], $0xffff;
	v15 =	vbroadcast v21, $0x0;
	v17 =	vor.u32 v0, v18  }
0x41: {  	s23 =	sadd.s32 $0x3, s23;
	v18 =	vand.u32 $0x3E, v20;
	v20 =	vld.idx.msk [tilespmem:v12+s13+$0x0], $0xffff;
	v7 =	vadd.f32 v8, v7;
	v8 =	vmul.f32 v16, v9  }
0x42: {  	v12 =	vld.idx.msk [tilespmem:v12+s14+$0x0], $0xffff;
	v15 =	vor.u32 v0, v15;
	v9 =	vmov s23;
	v16 =	vbroadcast v18, $0x0  }
0x43: {  	v9 =	vand.u32 $0x3F, v9;
	v18 =	vld.idx.msk [tilespmem:v11+s13+$0x0], $0xffff;
	v10 =	vmul.f32 v10, v13;
	v7 =	vadd.f32 v8, v7  }
0x44: {  	v11 =	vld.idx.msk [tilespmem:v11+s14+$0x0], $0xffff;
	v8 =	vbroadcast v9, $0x0;
	v9 =	vor.u32 v0, v16  }
0x45: {  	v13 =	vld.idx.msk [tilespmem:v17+s13+$0x0], $0xffff;
	v7 =	vadd.f32 v10, v7;
	v10 =	vmul.f32 v14, v19  }
0x46: {  	v14 =	vld.idx.msk [tilespmem:v17+s14+$0x0], $0xffff;
	v8 =	vor.u32 v0, v8  }
0x47: {  	s30 =	simm.s32 $0x0;
	v16 =	vld.idx.msk [tilespmem:v15+s13+$0x0], $0xffff;
	v7 =	vadd.f32 v10, v7;
	v10 =	vmul.f32 v12, v20  }
0x48: {  	v12 =	vld.idx.msk [tilespmem:v15+s14+$0x0], $0xffff;
	v15 =	vmov s30  }
0x49: {  	s31 =	simm.s32 $0x1;
	v17 =	vld.idx.msk [tilespmem:v9+s13+$0x0], $0xffff;
	v7 =	vadd.f32 v10, v7;
	v10 =	vmul.f32 v11, v18;
	v11 =	vand.u32 $0x3C, v15  }
0x4a: {  	v9 =	vld.idx.msk [tilespmem:v9+s14+$0x0], $0xffff;
	v15 =	vmov s31;
	v11 =	vbroadcast v11, $0x0  }
0x4b: {  	s24 =	simm.s32 $0x2;
	v18 =	vld.idx.msk [tilespmem:v8+s13+$0x0], $0xffff;
	v13 =	vmul.f32 v14, v13;
	v7 =	vadd.f32 v10, v7;
	v10 =	vand.u32 $0x3D, v15  }
0x4c: {  	v14 =	vld.idx.msk [tilespmem:v8+s14+$0x0], $0xffff;
	v8 =	vmov s24;
	v10 =	vbroadcast v10, $0x0;
	v11 =	vor.u32 v1, v11  }
0x4d: {  	s25 =	simm.s32 $0x3;
	v8 =	vand.u32 $0x3E, v8;
	v12 =	vmul.f32 v12, v16;
	v7 =	vadd.f32 v13, v7  }
0x4e: {  	v15 =	vbroadcast v8, $0x0;
	v13 =	vmov s25;
	v16 =	vor.u32 v1, v10  }
0x4f: {  	s26 =	simm.s32 $0x4;
	v8 =	vld [tilespmem:$0x4180];
	v9 =	vmul.f32 v9, v17;
	v10 =	vadd.f32 v12, v7;
	v12 =	vand.u32 $0x3F, v13  }
0x50: {  	v15 =	vor.u32 v1, v15;
	v7 =	vld [tilespmem:$0x4100];
	v13 =	vmov s26;
	v12 =	vbroadcast v12, $0x0  }
0x51: {  	s28 =	simm.s32 $0x5;
	v13 =	vand.u32 $0x3C, v13;
	v9 =	vadd.f32 v9, v10;
	v10 =	vmul.f32 v14, v18;
	v19 =	vld.idx.msk [tilespmem:v11+s13+$0x0], $0xffff  }
0x52: {  	v13 =	vbroadcast v13, $0x0;
	v21 =	vld.idx.msk [tilespmem:v11+s14+$0x0], $0xffff;
	v11 =	vmov s28;
	v23 =	vor.u32 v1, v12  }
0x53: {  	s29 =	simm.s32 $0x6;
	v11 =	vand.u32 $0x3D, v11;
	v9 =	vadd.f32 v10, v9;
	v10 =	vld.idx.msk [tilespmem:v16+s13+$0x0], $0xffff  }
0x54: {  	s23 =	simm.s32 $0x8;
	s24 =	simm.s32 $0x7;
	v12 =	vmov s29;
	v13 =	vor.u32 v1, v13;
	v14 =	vld.idx.msk [tilespmem:v16+s14+$0x0], $0xffff;
	v16 =	vbroadcast v11, $0x0  }
0x55: {  	v22 =	vmov s23;
	v17 =	vmov s24;
	v12 =	vand.u32 $0x3E, v12;
	v11 =	vld.idx.msk [tilespmem:v15+s13+$0x0], $0xffff  }
0x56: {  	s30 =	simm.s32 $0x9;
	v25 =	vand.u32 $0x3F, v17;
	v18 =	vld.idx.msk [tilespmem:v15+s14+$0x0], $0xffff;
	v24 =	vbroadcast v12, $0x0;
	v17 =	vor.u32 v1, v16  }
0x57: {  	v20 =	vimm.f32 $0.0e+00;
	v26 =	vmov s30;
	v16 =	vand.u32 $0x3C, v22;
	v12 =	vld.idx.msk [tilespmem:v23+s13+$0x0], $0xffff  }
0x58: {  	s31 =	simm.s32 $0xA;
	v22 =	vbroadcast v25, $0x0;
	v15 =	vor.u32 v1, v24;
	v25 =	vmul.f32 v21, v19;
	v19 =	vld.idx.msk [tilespmem:v23+s14+$0x0], $0xffff  }
0x59: {  	s24 =	simm.s32 $0xC;
	v21 =	vbroadcast v16, $0x0;
	v24 =	vand.u32 $0x3D, v26;
	v23 =	vmov s31;
	v16 =	vld.idx.msk [tilespmem:v13+s13+$0x0], $0xffff  }
.LBB2_4:
0x5a: {  	p0 =	sne.s32 s24, $0x3C;
	s25 =	sadd.s32 $0x3, s23;
	v26 =	vld.idx.msk [tilespmem:v13+s14+$0x0], $0xffff;
	v27 =	vor.u32 v1, v22;
	v20 =	vadd.f32 v25, v20;
	v22 =	vmul.f32 v14, v10;
	s23 =	smov.u32 s24  }
0x5b: {  	v24 =	vbroadcast v24, $0x0;
	v23 =	vand.u32 $0x3E, v23;
	v25 =	vmov s25;
	v10 =	vld.idx.msk [tilespmem:v17+s13+$0x0], $0xffff  }
0x5c: {  	v13 =	vor.u32 v1, v21;
	v21 =	vmul.f32 v18, v11;
	v14 =	vld.idx.msk [tilespmem:v17+s14+$0x0], $0xffff;
	v20 =	vadd.f32 v22, v20  }
.Ltmp1:
0x5d: {  	v23 =	vbroadcast v23, $0x0;
	v22 =	vmov s24;
	v25 =	vand.u32 $0x3F, v25;
	v11 =	vld.idx.msk [tilespmem:v15+s13+$0x0], $0xffff;
	(pc) =	sbr.rel @p0 .LBB2_4-.Ltmp1, $4  }
0x5e: {  	s25 =	sadd.s32 $0x1, s24;
	v17 =	vor.u32 v1, v24;
	v18 =	vld.idx.msk [tilespmem:v15+s14+$0x0], $0xffff;
	v20 =	vadd.f32 v21, v20;
	v21 =	vmul.f32 v19, v12  }
0x5f: {  	v28 =	vmov s25;
	v24 =	vand.u32 $0x3C, v22;
	v22 =	vbroadcast v25, $0x0;
	v12 =	vld.idx.msk [tilespmem:v27+s13+$0x0], $0xffff  }
0x60: {  	s25 =	sadd.s32 $0x2, s24;
	v15 =	vor.u32 v1, v23;
	v25 =	vmul.f32 v26, v16;
	v19 =	vld.idx.msk [tilespmem:v27+s14+$0x0], $0xffff;
	v20 =	vadd.f32 v21, v20  }
0x61: {  	s24 =	sadd.s32 $0x4, s24;
	v23 =	vmov s25;
	v21 =	vbroadcast v24, $0x0;
	v24 =	vand.u32 $0x3D, v28;
	v16 =	vld.idx.msk [tilespmem:v13+s13+$0x0], $0xffff  }
0x62: {  	_ =	sdelay $0x2  }
0x63: {  	v20 =	vadd.f32 v25, v20;
	v10 =	vmul.f32 v14, v10  }
0x64: {  	v13 =	vld.idx.msk [tilespmem:v13+s14+$0x0], $0xffff;
	v14 =	vor.u32 v1, v22  }
0x65: {  	v22 =	vld.idx.msk [tilespmem:v17+s13+$0x0], $0xffff;
	v11 =	vmul.f32 v18, v11;
	v10 =	vadd.f32 v10, v20  }
0x66: {  	v17 =	vld.idx.msk [tilespmem:v17+s14+$0x0], $0xffff;
	v18 =	vbroadcast v24, $0x0;
	v20 =	vor.u32 v1, v21  }
0x67: {  	s23 =	sadd.s32 $0x3, s23;
	v21 =	vand.u32 $0x3E, v23;
	v23 =	vld.idx.msk [tilespmem:v15+s13+$0x0], $0xffff;
	v10 =	vadd.f32 v11, v10;
	v11 =	vmul.f32 v19, v12  }
0x68: {  	v15 =	vld.idx.msk [tilespmem:v15+s14+$0x0], $0xffff;
	v18 =	vor.u32 v1, v18;
	v12 =	vmov s23;
	v19 =	vbroadcast v21, $0x0  }
0x69: {  	v12 =	vand.u32 $0x3F, v12;
	v21 =	vld.idx.msk [tilespmem:v14+s13+$0x0], $0xffff;
	v13 =	vmul.f32 v13, v16;
	v10 =	vadd.f32 v11, v10  }
0x6a: {  	v14 =	vld.idx.msk [tilespmem:v14+s14+$0x0], $0xffff;
	v11 =	vbroadcast v12, $0x0;
	v12 =	vor.u32 v1, v19  }
0x6b: {  	v16 =	vld.idx.msk [tilespmem:v20+s13+$0x0], $0xffff;
	v10 =	vadd.f32 v13, v10;
	v13 =	vmul.f32 v17, v22  }
0x6c: {  	v17 =	vld.idx.msk [tilespmem:v20+s14+$0x0], $0xffff;
	v11 =	vor.u32 v1, v11  }
0x6d: {  	s30 =	simm.s32 $0x0;
	v19 =	vld.idx.msk [tilespmem:v18+s13+$0x0], $0xffff;
	v10 =	vadd.f32 v13, v10;
	v13 =	vmul.f32 v15, v23  }
0x6e: {  	v15 =	vld.idx.msk [tilespmem:v18+s14+$0x0], $0xffff;
	v18 =	vmov s30  }
0x6f: {  	s31 =	simm.s32 $0x1;
	v20 =	vld.idx.msk [tilespmem:v12+s13+$0x0], $0xffff;
	v10 =	vadd.f32 v13, v10;
	v13 =	vmul.f32 v14, v21;
	v14 =	vand.u32 $0x3C, v18  }
0x70: {  	v12 =	vld.idx.msk [tilespmem:v12+s14+$0x0], $0xffff;
	v18 =	vmov s31;
	v14 =	vbroadcast v14, $0x0  }
0x71: {  	s24 =	simm.s32 $0x2;
	v21 =	vld.idx.msk [tilespmem:v11+s13+$0x0], $0xffff;
	v16 =	vmul.f32 v17, v16;
	v10 =	vadd.f32 v13, v10;
	v13 =	vand.u32 $0x3D, v18  }
0x72: {  	v17 =	vld.idx.msk [tilespmem:v11+s14+$0x0], $0xffff;
	v11 =	vmov s24;
	v13 =	vbroadcast v13, $0x0;
	v14 =	vor.u32 v2, v14  }
0x73: {  	s25 =	simm.s32 $0x3;
	v11 =	vand.u32 $0x3E, v11;
	v15 =	vmul.f32 v15, v19;
	v10 =	vadd.f32 v16, v10  }
0x74: {  	v18 =	vbroadcast v11, $0x0;
	v16 =	vmov s25;
	v19 =	vor.u32 v2, v13  }
0x75: {  	s26 =	simm.s32 $0x4;
	v11 =	vld [tilespmem:$0x4190];
	v12 =	vmul.f32 v12, v20;
	v13 =	vadd.f32 v15, v10;
	v15 =	vand.u32 $0x3F, v16  }
0x76: {  	v18 =	vor.u32 v2, v18;
	v10 =	vld [tilespmem:$0x4110];
	v16 =	vmov s26;
	v15 =	vbroadcast v15, $0x0  }
0x77: {  	s28 =	simm.s32 $0x5;
	v16 =	vand.u32 $0x3C, v16;
	v12 =	vadd.f32 v12, v13;
	v13 =	vmul.f32 v17, v21;
	v22 =	vld.idx.msk [tilespmem:v14+s13+$0x0], $0xffff  }
0x78: {  	v16 =	vbroadcast v16, $0x0;
	v24 =	vld.idx.msk [tilespmem:v14+s14+$0x0], $0xffff;
	v14 =	vmov s28;
	v26 =	vor.u32 v2, v15  }
0x79: {  	s29 =	simm.s32 $0x6;
	v14 =	vand.u32 $0x3D, v14;
	v12 =	vadd.f32 v13, v12;
	v13 =	vld.idx.msk [tilespmem:v19+s13+$0x0], $0xffff  }
0x7a: {  	s23 =	simm.s32 $0x8;
	s24 =	simm.s32 $0x7;
	v15 =	vmov s29;
	v16 =	vor.u32 v2, v16;
	v17 =	vld.idx.msk [tilespmem:v19+s14+$0x0], $0xffff;
	v19 =	vbroadcast v14, $0x0  }
0x7b: {  	v25 =	vmov s23;
	v20 =	vmov s24;
	v15 =	vand.u32 $0x3E, v15;
	v14 =	vld.idx.msk [tilespmem:v18+s13+$0x0], $0xffff  }
0x7c: {  	s30 =	simm.s32 $0x9;
	v28 =	vand.u32 $0x3F, v20;
	v21 =	vld.idx.msk [tilespmem:v18+s14+$0x0], $0xffff;
	v27 =	vbroadcast v15, $0x0;
	v20 =	vor.u32 v2, v19  }
0x7d: {  	v23 =	vimm.f32 $0.0e+00;
	v29 =	vmov s30;
	v19 =	vand.u32 $0x3C, v25;
	v15 =	vld.idx.msk [tilespmem:v26+s13+$0x0], $0xffff  }
0x7e: {  	s31 =	simm.s32 $0xA;
	v25 =	vbroadcast v28, $0x0;
	v18 =	vor.u32 v2, v27;
	v28 =	vmul.f32 v24, v22;
	v22 =	vld.idx.msk [tilespmem:v26+s14+$0x0], $0xffff  }
0x7f: {  	s24 =	simm.s32 $0xC;
	v24 =	vbroadcast v19, $0x0;
	v27 =	vand.u32 $0x3D, v29;
	v26 =	vmov s31;
	v19 =	vld.idx.msk [tilespmem:v16+s13+$0x0], $0xffff  }
.LBB2_6:
0x80: {  	p0 =	sne.s32 s24, $0x3C;
	s25 =	sadd.s32 $0x3, s23;
	v29 =	vld.idx.msk [tilespmem:v16+s14+$0x0], $0xffff;
	v30 =	vor.u32 v2, v25;
	v23 =	vadd.f32 v28, v23;
	v25 =	vmul.f32 v17, v13;
	s23 =	smov.u32 s24  }
0x81: {  	v27 =	vbroadcast v27, $0x0;
	v26 =	vand.u32 $0x3E, v26;
	v28 =	vmov s25;
	v13 =	vld.idx.msk [tilespmem:v20+s13+$0x0], $0xffff  }
0x82: {  	v16 =	vor.u32 v2, v24;
	v24 =	vmul.f32 v21, v14;
	v17 =	vld.idx.msk [tilespmem:v20+s14+$0x0], $0xffff;
	v23 =	vadd.f32 v25, v23  }
.Ltmp2:
0x83: {  	v26 =	vbroadcast v26, $0x0;
	v25 =	vmov s24;
	v28 =	vand.u32 $0x3F, v28;
	v14 =	vld.idx.msk [tilespmem:v18+s13+$0x0], $0xffff;
	(pc) =	sbr.rel @p0 .LBB2_6-.Ltmp2, $4  }
0x84: {  	s25 =	sadd.s32 $0x1, s24;
	v20 =	vor.u32 v2, v27;
	v21 =	vld.idx.msk [tilespmem:v18+s14+$0x0], $0xffff;
	v23 =	vadd.f32 v24, v23;
	v24 =	vmul.f32 v22, v15  }
0x85: {  	v31 =	vmov s25;
	v27 =	vand.u32 $0x3C, v25;
	v25 =	vbroadcast v28, $0x0;
	v15 =	vld.idx.msk [tilespmem:v30+s13+$0x0], $0xffff  }
0x86: {  	s25 =	sadd.s32 $0x2, s24;
	v18 =	vor.u32 v2, v26;
	v28 =	vmul.f32 v29, v19;
	v22 =	vld.idx.msk [tilespmem:v30+s14+$0x0], $0xffff;
	v23 =	vadd.f32 v24, v23  }
0x87: {  	s24 =	sadd.s32 $0x4, s24;
	v26 =	vmov s25;
	v24 =	vbroadcast v27, $0x0;
	v27 =	vand.u32 $0x3D, v31;
	v19 =	vld.idx.msk [tilespmem:v16+s13+$0x0], $0xffff  }
0x88: {  	_ =	sdelay $0x2  }
0x89: {  	v23 =	vadd.f32 v28, v23;
	v13 =	vmul.f32 v17, v13  }
0x8a: {  	v16 =	vld.idx.msk [tilespmem:v16+s14+$0x0], $0xffff;
	v17 =	vor.u32 v2, v25  }
0x8b: {  	v25 =	vld.idx.msk [tilespmem:v20+s13+$0x0], $0xffff;
	v14 =	vmul.f32 v21, v14;
	v13 =	vadd.f32 v13, v23  }
0x8c: {  	v20 =	vld.idx.msk [tilespmem:v20+s14+$0x0], $0xffff;
	v21 =	vbroadcast v27, $0x0;
	v23 =	vor.u32 v2, v24  }
0x8d: {  	s23 =	sadd.s32 $0x3, s23;
	v24 =	vand.u32 $0x3E, v26;
	v26 =	vld.idx.msk [tilespmem:v18+s13+$0x0], $0xffff;
	v13 =	vadd.f32 v14, v13;
	v14 =	vmul.f32 v22, v15  }
0x8e: {  	v18 =	vld.idx.msk [tilespmem:v18+s14+$0x0], $0xffff;
	v21 =	vor.u32 v2, v21;
	v15 =	vmov s23;
	v22 =	vbroadcast v24, $0x0  }
0x8f: {  	v15 =	vand.u32 $0x3F, v15;
	v24 =	vld.idx.msk [tilespmem:v17+s13+$0x0], $0xffff;
	v16 =	vmul.f32 v16, v19;
	v13 =	vadd.f32 v14, v13  }
0x90: {  	v17 =	vld.idx.msk [tilespmem:v17+s14+$0x0], $0xffff;
	v14 =	vbroadcast v15, $0x0;
	v15 =	vor.u32 v2, v22  }
0x91: {  	v19 =	vld.idx.msk [tilespmem:v23+s13+$0x0], $0xffff;
	v13 =	vadd.f32 v16, v13;
	v16 =	vmul.f32 v20, v25  }
0x92: {  	v20 =	vld.idx.msk [tilespmem:v23+s14+$0x0], $0xffff;
	v14 =	vor.u32 v2, v14  }
0x93: {  	s30 =	simm.s32 $0x0;
	v22 =	vld.idx.msk [tilespmem:v21+s13+$0x0], $0xffff;
	v13 =	vadd.f32 v16, v13;
	v16 =	vmul.f32 v18, v26  }
0x94: {  	v18 =	vld.idx.msk [tilespmem:v21+s14+$0x0], $0xffff;
	v21 =	vmov s30  }
0x95: {  	s31 =	simm.s32 $0x1;
	v23 =	vld.idx.msk [tilespmem:v15+s13+$0x0], $0xffff;
	v13 =	vadd.f32 v16, v13;
	v16 =	vmul.f32 v17, v24;
	v17 =	vand.u32 $0x3C, v21  }
0x96: {  	v15 =	vld.idx.msk [tilespmem:v15+s14+$0x0], $0xffff;
	v21 =	vmov s31;
	v17 =	vbroadcast v17, $0x0  }
0x97: {  	s24 =	simm.s32 $0x2;
	v24 =	vld.idx.msk [tilespmem:v14+s13+$0x0], $0xffff;
	v19 =	vmul.f32 v20, v19;
	v13 =	vadd.f32 v16, v13;
	v16 =	vand.u32 $0x3D, v21  }
0x98: {  	v20 =	vld.idx.msk [tilespmem:v14+s14+$0x0], $0xffff;
	v14 =	vmov s24;
	v16 =	vbroadcast v16, $0x0;
	v17 =	vor.u32 v3, v17  }
0x99: {  	s25 =	simm.s32 $0x3;
	v14 =	vand.u32 $0x3E, v14;
	v18 =	vmul.f32 v18, v22;
	v13 =	vadd.f32 v19, v13  }
0x9a: {  	v21 =	vbroadcast v14, $0x0;
	v19 =	vmov s25;
	v22 =	vor.u32 v3, v16  }
0x9b: {  	s26 =	simm.s32 $0x4;
	v14 =	vld [tilespmem:$0x41A0];
	v15 =	vmul.f32 v15, v23;
	v16 =	vadd.f32 v18, v13;
	v18 =	vand.u32 $0x3F, v19  }
0x9c: {  	v21 =	vor.u32 v3, v21;
	v13 =	vld [tilespmem:$0x4120];
	v19 =	vmov s26;
	v18 =	vbroadcast v18, $0x0  }
0x9d: {  	s28 =	simm.s32 $0x5;
	v19 =	vand.u32 $0x3C, v19;
	v15 =	vadd.f32 v15, v16;
	v16 =	vmul.f32 v20, v24;
	v25 =	vld.idx.msk [tilespmem:v17+s13+$0x0], $0xffff  }
0x9e: {  	v19 =	vbroadcast v19, $0x0;
	v27 =	vld.idx.msk [tilespmem:v17+s14+$0x0], $0xffff;
	v17 =	vmov s28;
	v29 =	vor.u32 v3, v18  }
0x9f: {  	s29 =	simm.s32 $0x6;
	v17 =	vand.u32 $0x3D, v17;
	v15 =	vadd.f32 v16, v15;
	v16 =	vld.idx.msk [tilespmem:v22+s13+$0x0], $0xffff  }
0xa0: {  	s23 =	simm.s32 $0x8;
	s24 =	simm.s32 $0x7;
	v18 =	vmov s29;
	v19 =	vor.u32 v3, v19;
	v20 =	vld.idx.msk [tilespmem:v22+s14+$0x0], $0xffff;
	v22 =	vbroadcast v17, $0x0  }
0xa1: {  	v28 =	vmov s23;
	v23 =	vmov s24;
	v18 =	vand.u32 $0x3E, v18;
	v17 =	vld.idx.msk [tilespmem:v21+s13+$0x0], $0xffff  }
0xa2: {  	s30 =	simm.s32 $0x9;
	v31 =	vand.u32 $0x3F, v23;
	v24 =	vld.idx.msk [tilespmem:v21+s14+$0x0], $0xffff;
	v30 =	vbroadcast v18, $0x0;
	v23 =	vor.u32 v3, v22  }
0xa3: {  	v26 =	vimm.f32 $0.0e+00;
	v32 =	vmov s30;
	v22 =	vand.u32 $0x3C, v28;
	v18 =	vld.idx.msk [tilespmem:v29+s13+$0x0], $0xffff  }
0xa4: {  	s31 =	simm.s32 $0xA;
	v28 =	vbroadcast v31, $0x0;
	v21 =	vor.u32 v3, v30;
	v31 =	vmul.f32 v27, v25;
	v25 =	vld.idx.msk [tilespmem:v29+s14+$0x0], $0xffff  }
0xa5: {  	s24 =	simm.s32 $0xC;
	v27 =	vbroadcast v22, $0x0;
	v30 =	vand.u32 $0x3D, v32;
	v29 =	vmov s31;
	v22 =	vld.idx.msk [tilespmem:v19+s13+$0x0], $0xffff  }
.LBB2_8:
0xa6: {  	p0 =	sne.s32 s24, $0x3C;
	s25 =	sadd.s32 $0x3, s23;
	v32 =	vld.idx.msk [tilespmem:v19+s14+$0x0], $0xffff;
	v33 =	vor.u32 v3, v28;
	v26 =	vadd.f32 v31, v26;
	v28 =	vmul.f32 v20, v16;
	s23 =	smov.u32 s24  }
0xa7: {  	v30 =	vbroadcast v30, $0x0;
	v29 =	vand.u32 $0x3E, v29;
	v31 =	vmov s25;
	v16 =	vld.idx.msk [tilespmem:v23+s13+$0x0], $0xffff  }
0xa8: {  	v19 =	vor.u32 v3, v27;
	v27 =	vmul.f32 v24, v17;
	v20 =	vld.idx.msk [tilespmem:v23+s14+$0x0], $0xffff;
	v26 =	vadd.f32 v28, v26  }
.Ltmp3:
0xa9: {  	v29 =	vbroadcast v29, $0x0;
	v28 =	vmov s24;
	v31 =	vand.u32 $0x3F, v31;
	v17 =	vld.idx.msk [tilespmem:v21+s13+$0x0], $0xffff;
	(pc) =	sbr.rel @p0 .LBB2_8-.Ltmp3, $4  }
0xaa: {  	s25 =	sadd.s32 $0x1, s24;
	v23 =	vor.u32 v3, v30;
	v24 =	vld.idx.msk [tilespmem:v21+s14+$0x0], $0xffff;
	v26 =	vadd.f32 v27, v26;
	v27 =	vmul.f32 v25, v18  }
0xab: {  	v34 =	vmov s25;
	v30 =	vand.u32 $0x3C, v28;
	v28 =	vbroadcast v31, $0x0;
	v18 =	vld.idx.msk [tilespmem:v33+s13+$0x0], $0xffff  }
0xac: {  	s25 =	sadd.s32 $0x2, s24;
	v21 =	vor.u32 v3, v29;
	v31 =	vmul.f32 v32, v22;
	v25 =	vld.idx.msk [tilespmem:v33+s14+$0x0], $0xffff;
	v26 =	vadd.f32 v27, v26  }
0xad: {  	s24 =	sadd.s32 $0x4, s24;
	v29 =	vmov s25;
	v27 =	vbroadcast v30, $0x0;
	v30 =	vand.u32 $0x3D, v34;
	v22 =	vld.idx.msk [tilespmem:v19+s13+$0x0], $0xffff  }
0xae: {  	_ =	sdelay $0x2  }
0xaf: {  	v26 =	vadd.f32 v31, v26;
	v16 =	vmul.f32 v20, v16  }
0xb0: {  	v19 =	vld.idx.msk [tilespmem:v19+s14+$0x0], $0xffff;
	v20 =	vor.u32 v3, v28  }
0xb1: {  	v28 =	vld.idx.msk [tilespmem:v23+s13+$0x0], $0xffff;
	v17 =	vmul.f32 v24, v17;
	v16 =	vadd.f32 v16, v26  }
0xb2: {  	v23 =	vld.idx.msk [tilespmem:v23+s14+$0x0], $0xffff;
	v24 =	vbroadcast v30, $0x0;
	v26 =	vor.u32 v3, v27  }
0xb3: {  	s23 =	sadd.s32 $0x3, s23;
	v27 =	vand.u32 $0x3E, v29;
	v29 =	vld.idx.msk [tilespmem:v21+s13+$0x0], $0xffff;
	v16 =	vadd.f32 v17, v16;
	v17 =	vmul.f32 v25, v18  }
0xb4: {  	v21 =	vld.idx.msk [tilespmem:v21+s14+$0x0], $0xffff;
	v24 =	vor.u32 v3, v24;
	v18 =	vmov s23;
	v25 =	vbroadcast v27, $0x0  }
0xb5: {  	v18 =	vand.u32 $0x3F, v18;
	v27 =	vld.idx.msk [tilespmem:v20+s13+$0x0], $0xffff;
	v19 =	vmul.f32 v19, v22;
	v16 =	vadd.f32 v17, v16  }
0xb6: {  	v20 =	vld.idx.msk [tilespmem:v20+s14+$0x0], $0xffff;
	v17 =	vbroadcast v18, $0x0;
	v18 =	vor.u32 v3, v25  }
0xb7: {  	v22 =	vld.idx.msk [tilespmem:v26+s13+$0x0], $0xffff;
	v16 =	vadd.f32 v19, v16;
	v19 =	vmul.f32 v23, v28  }
0xb8: {  	v23 =	vld.idx.msk [tilespmem:v26+s14+$0x0], $0xffff;
	v17 =	vor.u32 v3, v17  }
0xb9: {  	s30 =	simm.s32 $0x0;
	v25 =	vld.idx.msk [tilespmem:v24+s13+$0x0], $0xffff;
	v16 =	vadd.f32 v19, v16;
	v19 =	vmul.f32 v21, v29  }
0xba: {  	v21 =	vld.idx.msk [tilespmem:v24+s14+$0x0], $0xffff;
	v24 =	vmov s30  }
0xbb: {  	s31 =	simm.s32 $0x1;
	v26 =	vld.idx.msk [tilespmem:v18+s13+$0x0], $0xffff;
	v16 =	vadd.f32 v19, v16;
	v19 =	vmul.f32 v20, v27;
	v20 =	vand.u32 $0x3C, v24  }
0xbc: {  	v18 =	vld.idx.msk [tilespmem:v18+s14+$0x0], $0xffff;
	v24 =	vmov s31;
	v20 =	vbroadcast v20, $0x0  }
0xbd: {  	s24 =	simm.s32 $0x2;
	v27 =	vld.idx.msk [tilespmem:v17+s13+$0x0], $0xffff;
	v22 =	vmul.f32 v23, v22;
	v16 =	vadd.f32 v19, v16;
	v19 =	vand.u32 $0x3D, v24  }
0xbe: {  	v23 =	vld.idx.msk [tilespmem:v17+s14+$0x0], $0xffff;
	v17 =	vmov s24;
	v19 =	vbroadcast v19, $0x0;
	v20 =	vor.u32 v4, v20  }
0xbf: {  	s25 =	simm.s32 $0x3;
	v17 =	vand.u32 $0x3E, v17;
	v21 =	vmul.f32 v21, v25;
	v16 =	vadd.f32 v22, v16  }
0xc0: {  	v24 =	vbroadcast v17, $0x0;
	v22 =	vmov s25;
	v25 =	vor.u32 v4, v19  }
0xc1: {  	s26 =	simm.s32 $0x4;
	v17 =	vld [tilespmem:$0x41B0];
	v18 =	vmul.f32 v18, v26;
	v19 =	vadd.f32 v21, v16;
	v21 =	vand.u32 $0x3F, v22  }
0xc2: {  	v24 =	vor.u32 v4, v24;
	v16 =	vld [tilespmem:$0x4130];
	v22 =	vmov s26;
	v21 =	vbroadcast v21, $0x0  }
0xc3: {  	s28 =	simm.s32 $0x5;
	v22 =	vand.u32 $0x3C, v22;
	v18 =	vadd.f32 v18, v19;
	v19 =	vmul.f32 v23, v27;
	v28 =	vld.idx.msk [tilespmem:v20+s13+$0x0], $0xffff  }
0xc4: {  	v22 =	vbroadcast v22, $0x0;
	v30 =	vld.idx.msk [tilespmem:v20+s14+$0x0], $0xffff;
	v20 =	vmov s28;
	v32 =	vor.u32 v4, v21  }
0xc5: {  	s29 =	simm.s32 $0x6;
	v20 =	vand.u32 $0x3D, v20;
	v18 =	vadd.f32 v19, v18;
	v19 =	vld.idx.msk [tilespmem:v25+s13+$0x0], $0xffff  }
0xc6: {  	s23 =	simm.s32 $0x8;
	s24 =	simm.s32 $0x7;
	v21 =	vmov s29;
	v22 =	vor.u32 v4, v22;
	v23 =	vld.idx.msk [tilespmem:v25+s14+$0x0], $0xffff;
	v25 =	vbroadcast v20, $0x0  }
0xc7: {  	v31 =	vmov s23;
	v26 =	vmov s24;
	v21 =	vand.u32 $0x3E, v21;
	v20 =	vld.idx.msk [tilespmem:v24+s13+$0x0], $0xffff  }
0xc8: {  	s30 =	simm.s32 $0x9;
	v34 =	vand.u32 $0x3F, v26;
	v27 =	vld.idx.msk [tilespmem:v24+s14+$0x0], $0xffff;
	v33 =	vbroadcast v21, $0x0;
	v26 =	vor.u32 v4, v25  }
0xc9: {  	v29 =	vimm.f32 $0.0e+00;
	v35 =	vmov s30;
	v25 =	vand.u32 $0x3C, v31;
	v21 =	vld.idx.msk [tilespmem:v32+s13+$0x0], $0xffff  }
0xca: {  	s31 =	simm.s32 $0xA;
	v31 =	vbroadcast v34, $0x0;
	v24 =	vor.u32 v4, v33;
	v34 =	vmul.f32 v30, v28;
	v28 =	vld.idx.msk [tilespmem:v32+s14+$0x0], $0xffff  }
0xcb: {  	s24 =	simm.s32 $0xC;
	v30 =	vbroadcast v25, $0x0;
	v33 =	vand.u32 $0x3D, v35;
	v32 =	vmov s31;
	v25 =	vld.idx.msk [tilespmem:v22+s13+$0x0], $0xffff  }
.LBB2_10:
0xcc: {  	p0 =	sne.s32 s24, $0x3C;
	s25 =	sadd.s32 $0x3, s23;
	v35 =	vld.idx.msk [tilespmem:v22+s14+$0x0], $0xffff;
	v36 =	vor.u32 v4, v31;
	v29 =	vadd.f32 v34, v29;
	v31 =	vmul.f32 v23, v19;
	s23 =	smov.u32 s24  }
0xcd: {  	v33 =	vbroadcast v33, $0x0;
	v32 =	vand.u32 $0x3E, v32;
	v34 =	vmov s25;
	v19 =	vld.idx.msk [tilespmem:v26+s13+$0x0], $0xffff  }
0xce: {  	v22 =	vor.u32 v4, v30;
	v30 =	vmul.f32 v27, v20;
	v23 =	vld.idx.msk [tilespmem:v26+s14+$0x0], $0xffff;
	v29 =	vadd.f32 v31, v29  }
.Ltmp4:
0xcf: {  	v32 =	vbroadcast v32, $0x0;
	v31 =	vmov s24;
	v34 =	vand.u32 $0x3F, v34;
	v20 =	vld.idx.msk [tilespmem:v24+s13+$0x0], $0xffff;
	(pc) =	sbr.rel @p0 .LBB2_10-.Ltmp4, $4  }
0xd0: {  	s25 =	sadd.s32 $0x1, s24;
	v26 =	vor.u32 v4, v33;
	v27 =	vld.idx.msk [tilespmem:v24+s14+$0x0], $0xffff;
	v29 =	vadd.f32 v30, v29;
	v30 =	vmul.f32 v28, v21  }
0xd1: {  	v37 =	vmov s25;
	v33 =	vand.u32 $0x3C, v31;
	v31 =	vbroadcast v34, $0x0;
	v21 =	vld.idx.msk [tilespmem:v36+s13+$0x0], $0xffff  }
0xd2: {  	s25 =	sadd.s32 $0x2, s24;
	v24 =	vor.u32 v4, v32;
	v34 =	vmul.f32 v35, v25;
	v28 =	vld.idx.msk [tilespmem:v36+s14+$0x0], $0xffff;
	v29 =	vadd.f32 v30, v29  }
0xd3: {  	s24 =	sadd.s32 $0x4, s24;
	v32 =	vmov s25;
	v30 =	vbroadcast v33, $0x0;
	v33 =	vand.u32 $0x3D, v37;
	v25 =	vld.idx.msk [tilespmem:v22+s13+$0x0], $0xffff  }
0xd4: {  	_ =	sdelay $0x2  }
0xd5: {  	v29 =	vadd.f32 v34, v29;
	v19 =	vmul.f32 v23, v19  }
0xd6: {  	v22 =	vld.idx.msk [tilespmem:v22+s14+$0x0], $0xffff;
	v23 =	vor.u32 v4, v31  }
0xd7: {  	v31 =	vld.idx.msk [tilespmem:v26+s13+$0x0], $0xffff;
	v20 =	vmul.f32 v27, v20;
	v19 =	vadd.f32 v19, v29  }
0xd8: {  	v26 =	vld.idx.msk [tilespmem:v26+s14+$0x0], $0xffff;
	v27 =	vbroadcast v33, $0x0;
	v29 =	vor.u32 v4, v30  }
0xd9: {  	s23 =	sadd.s32 $0x3, s23;
	v61 =	vld.idx.msk [tilespmem:v24+s13+$0x0], $0xffff;
	v30 =	vand.u32 $0x3E, v32;
	v19 =	vadd.f32 v20, v19;
	v20 =	vmul.f32 v28, v21  }
0xda: {  	v24 =	vld.idx.msk [tilespmem:v24+s14+$0x0], $0xffff;
	v27 =	vor.u32 v4, v27;
	v21 =	vmov s23;
	v28 =	vbroadcast v30, $0x0  }
0xdb: {  	v21 =	vand.u32 $0x3F, v21;
	v30 =	vld.idx.msk [tilespmem:v23+s13+$0x0], $0xffff;
	v22 =	vmul.f32 v22, v25;
	v19 =	vadd.f32 v20, v19  }
0xdc: {  	v23 =	vld.idx.msk [tilespmem:v23+s14+$0x0], $0xffff;
	v20 =	vbroadcast v21, $0x0;
	v21 =	vor.u32 v4, v28  }
0xdd: {  	v25 =	vld.idx.msk [tilespmem:v29+s13+$0x0], $0xffff;
	v19 =	vadd.f32 v22, v19;
	v22 =	vmul.f32 v26, v31  }
0xde: {  	v26 =	vld.idx.msk [tilespmem:v29+s14+$0x0], $0xffff;
	v20 =	vor.u32 v4, v20  }
0xdf: {  	s30 =	simm.s32 $0x0;
	v28 =	vld.idx.msk [tilespmem:v27+s13+$0x0], $0xffff;
	v19 =	vadd.f32 v22, v19;
	v22 =	vmul.f32 v24, v61  }
0xe0: {  	v24 =	vld.idx.msk [tilespmem:v27+s14+$0x0], $0xffff;
	v27 =	vmov s30  }
0xe1: {  	s31 =	simm.s32 $0x1;
	v29 =	vld.idx.msk [tilespmem:v21+s13+$0x0], $0xffff;
	v19 =	vadd.f32 v22, v19;
	v22 =	vmul.f32 v23, v30;
	v23 =	vand.u32 $0x3C, v27  }
0xe2: {  	v21 =	vld.idx.msk [tilespmem:v21+s14+$0x0], $0xffff;
	v27 =	vmov s31;
	v23 =	vbroadcast v23, $0x0  }
0xe3: {  	s24 =	simm.s32 $0x2;
	v30 =	vld.idx.msk [tilespmem:v20+s13+$0x0], $0xffff;
	v25 =	vmul.f32 v26, v25;
	v19 =	vadd.f32 v22, v19;
	v22 =	vand.u32 $0x3D, v27  }
0xe4: {  	v26 =	vld.idx.msk [tilespmem:v20+s14+$0x0], $0xffff;
	v20 =	vmov s24;
	v22 =	vbroadcast v22, $0x0;
	v23 =	vor.u32 v5, v23  }
0xe5: {  	s25 =	simm.s32 $0x3;
	v20 =	vand.u32 $0x3E, v20;
	v24 =	vmul.f32 v24, v28;
	v19 =	vadd.f32 v25, v19  }
0xe6: {  	v27 =	vbroadcast v20, $0x0;
	v25 =	vmov s25;
	v28 =	vor.u32 v5, v22  }
0xe7: {  	s26 =	simm.s32 $0x4;
	v20 =	vld [tilespmem:$0x41C0];
	v21 =	vmul.f32 v21, v29;
	v22 =	vadd.f32 v24, v19;
	v24 =	vand.u32 $0x3F, v25  }
0xe8: {  	v27 =	vor.u32 v5, v27;
	v19 =	vld [tilespmem:$0x4140];
	v25 =	vmov s26;
	v24 =	vbroadcast v24, $0x0  }
0xe9: {  	s28 =	simm.s32 $0x5;
	v25 =	vand.u32 $0x3C, v25;
	v21 =	vadd.f32 v21, v22;
	v22 =	vmul.f32 v26, v30;
	v31 =	vld.idx.msk [tilespmem:v23+s13+$0x0], $0xffff  }
0xea: {  	v25 =	vbroadcast v25, $0x0;
	v62 =	vld.idx.msk [tilespmem:v23+s14+$0x0], $0xffff;
	v23 =	vmov s28;
	v35 =	vor.u32 v5, v24  }
0xeb: {  	s29 =	simm.s32 $0x6;
	v23 =	vand.u32 $0x3D, v23;
	v21 =	vadd.f32 v22, v21;
	v22 =	vld.idx.msk [tilespmem:v28+s13+$0x0], $0xffff  }
0xec: {  	s24 =	simm.s32 $0x7;
	v24 =	vmov s29;
	v25 =	vor.u32 v5, v25;
	v26 =	vld.idx.msk [tilespmem:v28+s14+$0x0], $0xffff;
	v28 =	vbroadcast v23, $0x0  }
0xed: {  	v32 =	vimm.f32 $0.0e+00;
	v29 =	vmov s24;
	v24 =	vand.u32 $0x3E, v24;
	v23 =	vld.idx.msk [tilespmem:v27+s13+$0x0], $0xffff  }
0xee: {  	s23 =	simm.s32 $0x8;
	s30 =	simm.s32 $0x9;
	v37 =	vand.u32 $0x3F, v29;
	v30 =	vld.idx.msk [tilespmem:v27+s14+$0x0], $0xffff;
	v36 =	vbroadcast v24, $0x0;
	v29 =	vor.u32 v5, v28  }
0xef: {  	v63 =	vmov s23;
	v38 =	vmov s30;
	v34 =	vbroadcast v37, $0x0;
	v24 =	vld.idx.msk [tilespmem:v35+s13+$0x0], $0xffff  }
0xf0: {  	s31 =	simm.s32 $0xA;
	v28 =	vand.u32 $0x3C, v63;
	v27 =	vor.u32 v5, v36;
	v37 =	vmul.f32 v62, v31;
	v31 =	vld.idx.msk [tilespmem:v35+s14+$0x0], $0xffff  }
0xf1: {  	s24 =	simm.s32 $0xC;
	v33 =	vbroadcast v28, $0x0;
	v36 =	vand.u32 $0x3D, v38;
	v35 =	vmov s31;
	v28 =	vld.idx.msk [tilespmem:v25+s13+$0x0], $0xffff  }
.LBB2_12:
0xf2: {  	p0 =	sne.s32 s24, $0x3C;
	s25 =	sadd.s32 $0x3, s23;
	v38 =	vld.idx.msk [tilespmem:v25+s14+$0x0], $0xffff;
	v39 =	vor.u32 v5, v34;
	v32 =	vadd.f32 v37, v32;
	v34 =	vmul.f32 v26, v22;
	s23 =	smov.u32 s24  }
0xf3: {  	v36 =	vbroadcast v36, $0x0;
	v35 =	vand.u32 $0x3E, v35;
	v37 =	vmov s25;
	v22 =	vld.idx.msk [tilespmem:v29+s13+$0x0], $0xffff  }
0xf4: {  	v25 =	vor.u32 v5, v33;
	v33 =	vmul.f32 v30, v23;
	v26 =	vld.idx.msk [tilespmem:v29+s14+$0x0], $0xffff;
	v32 =	vadd.f32 v34, v32  }
.Ltmp5:
0xf5: {  	v35 =	vbroadcast v35, $0x0;
	v34 =	vmov s24;
	v37 =	vand.u32 $0x3F, v37;
	v23 =	vld.idx.msk [tilespmem:v27+s13+$0x0], $0xffff;
	(pc) =	sbr.rel @p0 .LBB2_12-.Ltmp5, $4  }
0xf6: {  	s25 =	sadd.s32 $0x1, s24;
	v29 =	vor.u32 v5, v36;
	v30 =	vld.idx.msk [tilespmem:v27+s14+$0x0], $0xffff;
	v32 =	vadd.f32 v33, v32;
	v33 =	vmul.f32 v31, v24  }
0xf7: {  	v40 =	vmov s25;
	v36 =	vand.u32 $0x3C, v34;
	v34 =	vbroadcast v37, $0x0;
	v24 =	vld.idx.msk [tilespmem:v39+s13+$0x0], $0xffff  }
0xf8: {  	s25 =	sadd.s32 $0x2, s24;
	v27 =	vor.u32 v5, v35;
	v37 =	vmul.f32 v38, v28;
	v31 =	vld.idx.msk [tilespmem:v39+s14+$0x0], $0xffff;
	v32 =	vadd.f32 v33, v32  }
0xf9: {  	s24 =	sadd.s32 $0x4, s24;
	v35 =	vmov s25;
	v33 =	vbroadcast v36, $0x0;
	v36 =	vand.u32 $0x3D, v40;
	v28 =	vld.idx.msk [tilespmem:v25+s13+$0x0], $0xffff  }
0xfa: {  	_ =	sdelay $0x2  }
0xfb: {  	v32 =	vadd.f32 v37, v32;
	v22 =	vmul.f32 v26, v22  }
0xfc: {  	v25 =	vld.idx.msk [tilespmem:v25+s14+$0x0], $0xffff;
	v26 =	vor.u32 v5, v34  }
0xfd: {  	v52 =	vld.idx.msk [tilespmem:v29+s13+$0x0], $0xffff;
	v23 =	vmul.f32 v30, v23;
	v22 =	vadd.f32 v22, v32  }
0xfe: {  	v29 =	vld.idx.msk [tilespmem:v29+s14+$0x0], $0xffff;
	v30 =	vbroadcast v36, $0x0;
	v53 =	vor.u32 v5, v33  }
0xff: {  	s23 =	sadd.s32 $0x3, s23;
	v54 =	vand.u32 $0x3E, v35;
	v55 =	vld.idx.msk [tilespmem:v27+s13+$0x0], $0xffff;
	v22 =	vadd.f32 v23, v22;
	v23 =	vmul.f32 v31, v24  }
0x100: {  	v27 =	vld.idx.msk [tilespmem:v27+s14+$0x0], $0xffff;
	v30 =	vor.u32 v5, v30;
	v24 =	vmov s23;
	v31 =	vbroadcast v54, $0x0  }
0x101: {  	v24 =	vand.u32 $0x3F, v24;
	v56 =	vld.idx.msk [tilespmem:v26+s13+$0x0], $0xffff;
	v25 =	vmul.f32 v25, v28;
	v22 =	vadd.f32 v23, v22  }
0x102: {  	v26 =	vld.idx.msk [tilespmem:v26+s14+$0x0], $0xffff;
	v23 =	vbroadcast v24, $0x0;
	v24 =	vor.u32 v5, v31  }
0x103: {  	v28 =	vld.idx.msk [tilespmem:v53+s13+$0x0], $0xffff;
	v22 =	vadd.f32 v25, v22;
	v25 =	vmul.f32 v29, v52  }
0x104: {  	v29 =	vld.idx.msk [tilespmem:v53+s14+$0x0], $0xffff;
	v23 =	vor.u32 v5, v23  }
0x105: {  	s30 =	simm.s32 $0x0;
	v31 =	vld.idx.msk [tilespmem:v30+s13+$0x0], $0xffff;
	v22 =	vadd.f32 v25, v22;
	v25 =	vmul.f32 v27, v55  }
0x106: {  	v27 =	vld.idx.msk [tilespmem:v30+s14+$0x0], $0xffff;
	v30 =	vmov s30  }
0x107: {  	s31 =	simm.s32 $0x1;
	v57 =	vld.idx.msk [tilespmem:v24+s13+$0x0], $0xffff;
	v22 =	vadd.f32 v25, v22;
	v25 =	vmul.f32 v26, v56;
	v26 =	vand.u32 $0x3C, v30  }
0x108: {  	v24 =	vld.idx.msk [tilespmem:v24+s14+$0x0], $0xffff;
	v30 =	vmov s31;
	v26 =	vbroadcast v26, $0x0  }
0x109: {  	s24 =	simm.s32 $0x2;
	v58 =	vld.idx.msk [tilespmem:v23+s13+$0x0], $0xffff;
	v28 =	vmul.f32 v29, v28;
	v22 =	vadd.f32 v25, v22;
	v25 =	vand.u32 $0x3D, v30  }
0x10a: {  	v29 =	vld.idx.msk [tilespmem:v23+s14+$0x0], $0xffff;
	v23 =	vmov s24;
	v25 =	vbroadcast v25, $0x0;
	v26 =	vor.u32 v6, v26  }
0x10b: {  	s25 =	simm.s32 $0x3;
	v23 =	vand.u32 $0x3E, v23;
	v27 =	vmul.f32 v27, v31;
	v22 =	vadd.f32 v28, v22  }
0x10c: {  	v30 =	vbroadcast v23, $0x0;
	v28 =	vmov s25;
	v31 =	vor.u32 v6, v25  }
0x10d: {  	s26 =	simm.s32 $0x4;
	v23 =	vld [tilespmem:$0x41D0];
	v24 =	vmul.f32 v24, v57;
	v25 =	vadd.f32 v27, v22;
	v27 =	vand.u32 $0x3F, v28  }
0x10e: {  	v30 =	vor.u32 v6, v30;
	v22 =	vld [tilespmem:$0x4150];
	v28 =	vmov s26;
	v27 =	vbroadcast v27, $0x0  }
0x10f: {  	s28 =	simm.s32 $0x5;
	v28 =	vand.u32 $0x3C, v28;
	v24 =	vadd.f32 v24, v25;
	v25 =	vmul.f32 v29, v58;
	v59 =	vld.idx.msk [tilespmem:v26+s13+$0x0], $0xffff  }
0x110: {  	v28 =	vbroadcast v28, $0x0;
	v60 =	vld.idx.msk [tilespmem:v26+s14+$0x0], $0xffff;
	v26 =	vmov s28;
	v61 =	vor.u32 v6, v27  }
0x111: {  	s29 =	simm.s32 $0x6;
	v26 =	vand.u32 $0x3D, v26;
	v24 =	vadd.f32 v25, v24;
	v25 =	vld.idx.msk [tilespmem:v31+s13+$0x0], $0xffff  }
0x112: {  	s23 =	simm.s32 $0x8;
	v27 =	vmov s29;
	v28 =	vor.u32 v6, v28;
	v29 =	vld.idx.msk [tilespmem:v31+s14+$0x0], $0xffff;
	v31 =	vbroadcast v26, $0x0  }
0x113: {  	v35 =	vimm.f32 $0.0e+00;
	v63 =	vmov s23;
	s24 =	simm.s32 $0x7;
	v27 =	vand.u32 $0x3E, v27;
	v26 =	vld.idx.msk [tilespmem:v30+s13+$0x0], $0xffff  }
0x114: {  	s30 =	simm.s32 $0x9;
	v62 =	vmov s24;
	v32 =	vld.idx.msk [tilespmem:v30+s14+$0x0], $0xffff;
	v38 =	vbroadcast v27, $0x0;
	v31 =	vor.u32 v6, v31  }
0x115: {  	v41 =	vand.u32 $0x3C, v63;
	v42 =	vmov s30;
	v39 =	vand.u32 $0x3F, v62;
	v27 =	vld.idx.msk [tilespmem:v61+s13+$0x0], $0xffff  }
0x116: {  	s31 =	simm.s32 $0xA;
	v37 =	vbroadcast v39, $0x0;
	v30 =	vor.u32 v6, v38;
	v40 =	vmul.f32 v60, v59;
	v34 =	vld.idx.msk [tilespmem:v61+s14+$0x0], $0xffff  }
0x117: {  	v36 =	vbroadcast v41, $0x0;
	s24 =	simm.s32 $0xC;
	v39 =	vmov s31;
	v38 =	vand.u32 $0x3D, v42;
	v33 =	vld.idx.msk [tilespmem:v28+s13+$0x0], $0xffff  }
.LBB2_14:
0x118: {  	p0 =	sne.s32 s24, $0x3C;
	s25 =	sadd.s32 $0x3, s23;
	v41 =	vld.idx.msk [tilespmem:v28+s14+$0x0], $0xffff;
	v42 =	vor.u32 v6, v37;
	v35 =	vadd.f32 v40, v35;
	v37 =	vmul.f32 v29, v25;
	s23 =	smov.u32 s24  }
0x119: {  	v38 =	vbroadcast v38, $0x0;
	v39 =	vand.u32 $0x3E, v39;
	v40 =	vmov s25;
	v25 =	vld.idx.msk [tilespmem:v31+s13+$0x0], $0xffff  }
0x11a: {  	v28 =	vor.u32 v6, v36;
	v36 =	vmul.f32 v32, v26;
	v29 =	vld.idx.msk [tilespmem:v31+s14+$0x0], $0xffff;
	v35 =	vadd.f32 v37, v35  }
.Ltmp6:
0x11b: {  	v39 =	vbroadcast v39, $0x0;
	v37 =	vmov s24;
	v40 =	vand.u32 $0x3F, v40;
	v26 =	vld.idx.msk [tilespmem:v30+s13+$0x0], $0xffff;
	(pc) =	sbr.rel @p0 .LBB2_14-.Ltmp6, $4  }
0x11c: {  	s25 =	sadd.s32 $0x1, s24;
	v31 =	vor.u32 v6, v38;
	v32 =	vld.idx.msk [tilespmem:v30+s14+$0x0], $0xffff;
	v35 =	vadd.f32 v36, v35;
	v36 =	vmul.f32 v34, v27  }
0x11d: {  	v43 =	vmov s25;
	v38 =	vand.u32 $0x3C, v37;
	v37 =	vbroadcast v40, $0x0;
	v27 =	vld.idx.msk [tilespmem:v42+s13+$0x0], $0xffff  }
0x11e: {  	s25 =	sadd.s32 $0x2, s24;
	v30 =	vor.u32 v6, v39;
	v40 =	vmul.f32 v41, v33;
	v34 =	vld.idx.msk [tilespmem:v42+s14+$0x0], $0xffff;
	v35 =	vadd.f32 v36, v35  }
0x11f: {  	s24 =	sadd.s32 $0x4, s24;
	v39 =	vmov s25;
	v36 =	vbroadcast v38, $0x0;
	v38 =	vand.u32 $0x3D, v43;
	v33 =	vld.idx.msk [tilespmem:v28+s13+$0x0], $0xffff  }
0x120: {  	_ =	sdelay $0x2  }
0x121: {  	v35 =	vadd.f32 v40, v35;
	v25 =	vmul.f32 v29, v25  }
0x122: {  	v28 =	vld.idx.msk [tilespmem:v28+s14+$0x0], $0xffff;
	v29 =	vor.u32 v6, v37  }
0x123: {  	v59 =	vld.idx.msk [tilespmem:v31+s13+$0x0], $0xffff;
	v26 =	vmul.f32 v32, v26;
	v25 =	vadd.f32 v25, v35  }
0x124: {  	s23 =	sadd.s32 $0x3, s23;
	v60 =	vbroadcast v38, $0x0;
	v31 =	vld.idx.msk [tilespmem:v31+s14+$0x0], $0xffff;
	v36 =	vor.u32 v6, v36  }
0x125: {  	v63 =	vld.idx.msk [tilespmem:v30+s13+$0x0], $0xffff;
	v62 =	vmov s23;
	v25 =	vadd.f32 v26, v25;
	v26 =	vmul.f32 v34, v27  }
0x126: {  	v61 =	vand.u32 $0x3E, v39;
	v30 =	vld.idx.msk [tilespmem:v30+s14+$0x0], $0xffff;
	v42 =	vand.u32 $0x3F, v62;
	v32 =	vor.u32 v6, v60  }
0x127: {  	v27 =	vbroadcast v61, $0x0;
	v28 =	vmul.f32 v28, v33;
	v43 =	vld.idx.msk [tilespmem:v29+s13+$0x0], $0xffff;
	v25 =	vadd.f32 v26, v25  }
0x128: {  	v29 =	vld.idx.msk [tilespmem:v29+s14+$0x0], $0xffff;
	v26 =	vbroadcast v42, $0x0  }
0x129: {  	v27 =	vor.u32 v6, v27;
	v44 =	vld.idx.msk [tilespmem:v36+s14+$0x0], $0xffff;
	v25 =	vadd.f32 v28, v25;
	v28 =	vmul.f32 v31, v59  }
0x12a: {  	v31 =	vld.idx.msk [tilespmem:v36+s13+$0x0], $0xffff  }
0x12b: {  	s31 =	simm.s32 $0x0;
	s25 =	simm.s32 $0x2;
	v45 =	vld.idx.msk [tilespmem:v32+s13+$0x0], $0xffff;
	v26 =	vor.u32 v6, v26;
	v25 =	vadd.f32 v28, v25;
	v28 =	vmul.f32 v30, v63  }
0x12c: {  	s24 =	simm.s32 $0x1;
	v48 =	vmov s25;
	v32 =	vld.idx.msk [tilespmem:v32+s14+$0x0], $0xffff;
	v30 =	vmov s31  }
0x12d: {  	v30 =	vand.u32 $0x3C, v30;
	v25 =	vadd.f32 v28, v25;
	v28 =	vmov s24  }
0x12e: {  	v29 =	vmul.f32 v29, v43;
	v46 =	vld.idx.msk [tilespmem:v27+s13+$0x0], $0xffff;
	v30 =	vbroadcast v30, $0x0;
	v47 =	vand.u32 $0x3D, v28  }
0x12f: {  	v27 =	vld.idx.msk [tilespmem:v27+s14+$0x0], $0xffff;
	v28 =	vor.u32 $0x1C00, v0;
	v31 =	vmul.f32 v44, v31;
	v33 =	vbroadcast v47, $0x0  }
0x130: {  	s26 =	simm.s32 $0x3;
	v49 =	vld.idx.msk [tilespmem:v26+s13+$0x0], $0xffff;
	v30 =	vor.u32 v28, v30;
	v25 =	vadd.f32 v29, v25;
	v29 =	vand.u32 $0x3E, v48  }
0x131: {  	v32 =	vmul.f32 v32, v45;
	v50 =	vld.idx.msk [tilespmem:v26+s14+$0x0], $0xffff;
	v26 =	vmov s26;
	v29 =	vbroadcast v29, $0x0  }
0x132: {  	s28 =	simm.s32 $0x4;
	v51 =	vand.u32 $0x3F, v26;
	v33 =	vor.u32 v28, v33;
	v31 =	vadd.f32 v31, v25  }
0x133: {  	v52 =	vmov s28;
	v26 =	vld [tilespmem:$0x41E0];
	v53 =	vor.u32 v28, v29;
	v29 =	vbroadcast v51, $0x0  }
0x134: {  	v55 =	vand.u32 $0x3C, v52;
	v25 =	vld [tilespmem:$0x4160];
	v27 =	vmul.f32 v27, v46;
	v31 =	vadd.f32 v32, v31  }
0x135: {  	s29 =	simm.s32 $0x5;
	v54 =	vld.idx.msk [tilespmem:v30+s13+$0x0], $0xffff;
	v57 =	vor.u32 v28, v29;
	v29 =	vbroadcast v55, $0x0  }
0x136: {  	s30 =	simm.s32 $0x6;
	v56 =	vld.idx.msk [tilespmem:v30+s14+$0x0], $0xffff;
	v30 =	vmul.f32 v50, v49;
	v27 =	vadd.f32 v27, v31;
	v31 =	vmov s29  }
0x137: {  	v59 =	vmov s30;
	v58 =	vld.idx.msk [tilespmem:v33+s13+$0x0], $0xffff;
	v31 =	vand.u32 $0x3D, v31  }
0x138: {  	v41 =	vld.idx.msk [tilespmem:v33+s14+$0x0], $0xffff;
	v42 =	vor.u32 v28, v29;
	v27 =	vadd.f32 v30, v27;
	v30 =	vbroadcast v31, $0x0  }
0x139: {  	s31 =	simm.s32 $0x7;
	v29 =	vld.idx.msk [tilespmem:v53+s13+$0x0], $0xffff;
	v31 =	vand.u32 $0x3E, v59  }
0x13a: {  	v61 =	vmov s31;
	v35 =	vld.idx.msk [tilespmem:v53+s14+$0x0], $0xffff;
	v31 =	vbroadcast v31, $0x0;
	v33 =	vor.u32 v28, v30  }
0x13b: {  	s23 =	simm.s32 $0x8;
	v60 =	vimm.f32 $0.0e+00;
	v62 =	vand.u32 $0x3F, v61;
	v30 =	vld.idx.msk [tilespmem:v57+s13+$0x0], $0xffff;
	v36 =	vmul.f32 v56, v54  }
0x13c: {  	v63 =	vmov s23;
	s24 =	simm.s32 $0x9;
	v43 =	vbroadcast v62, $0x0;
	v34 =	vld.idx.msk [tilespmem:v57+s14+$0x0], $0xffff;
	v32 =	vor.u32 v28, v31  }
0x13d: {  	v44 =	vmov s24;
	v31 =	vld.idx.msk [tilespmem:v42+s13+$0x0], $0xffff;
	v38 =	vadd.f32 v36, v60;
	v39 =	vmul.f32 v41, v58  }
0x13e: {  	s24 =	simm.s32 $0xC;
	v40 =	vand.u32 $0x3D, v44;
	v41 =	vand.u32 $0x3C, v63;
	v37 =	vld.idx.msk [tilespmem:v42+s14+$0x0], $0xffff;
	v36 =	vor.u32 v28, v43  }
.LBB2_16:
0x13f: {  	p0 =	sne.s32 s24, $0x3C;
	v41 =	vbroadcast v41, $0x0;
	s25 =	sadd.s32 $0x2, s23;
	v42 =	vld.idx.msk [tilespmem:v33+s13+$0x0], $0xffff;
	v38 =	vadd.f32 v39, v38;
	v35 =	vmul.f32 v35, v29  }
0x140: {  	v39 =	vbroadcast v40, $0x0;
	v40 =	vmov s25;
	v43 =	vld.idx.msk [tilespmem:v33+s14+$0x0], $0xffff  }
0x141: {  	s25 =	sadd.s32 $0x3, s23;
	v34 =	vmul.f32 v34, v30;
	s23 =	smov.u32 s24;
	v44 =	vor.u32 v28, v41;
	v29 =	vld.idx.msk [tilespmem:v32+s13+$0x0], $0xffff;
	v38 =	vadd.f32 v35, v38  }
0x142: {  	v30 =	vand.u32 $0x3E, v40;
	v40 =	vmov s25;
	v35 =	vld.idx.msk [tilespmem:v32+s14+$0x0], $0xffff  }
.Ltmp7:
0x143: {  	v33 =	vor.u32 v28, v39;
	v32 =	vbroadcast v30, $0x0;
	v30 =	vld.idx.msk [tilespmem:v36+s13+$0x0], $0xffff;
	v38 =	vadd.f32 v34, v38;
	(pc) =	sbr.rel @p0 .LBB2_16-.Ltmp7, $4  }
0x144: {  	v39 =	vand.u32 $0x3F, v40;
	v37 =	vmul.f32 v37, v31;
	v34 =	vld.idx.msk [tilespmem:v36+s14+$0x0], $0xffff  }
0x145: {  	s25 =	sadd.s32 $0x1, s24;
	v45 =	vbroadcast v39, $0x0;
	v36 =	vmov s24;
	v32 =	vor.u32 v28, v32  }
0x146: {  	v40 =	vmov s25;
	v38 =	vadd.f32 v37, v38;
	v39 =	vmul.f32 v43, v42;
	v31 =	vld.idx.msk [tilespmem:v44+s13+$0x0], $0xffff  }
0x147: {  	v40 =	vand.u32 $0x3D, v40;
	s24 =	sadd.s32 $0x4, s24;
	v41 =	vand.u32 $0x3C, v36;
	v36 =	vor.u32 v28, v45;
	v37 =	vld.idx.msk [tilespmem:v44+s14+$0x0], $0xffff  }
0x148: {  	_ =	sdelay $0x3  }
0x149: {  	v42 =	vld.idx.msk [tilespmem:v33+s13+$0x0], $0xffff  }
0x14a: {  	v41 =	vbroadcast v41, $0x0;
	v38 =	vadd.f32 v39, v38;
	v29 =	vmul.f32 v35, v29;
	v45 =	vld.idx.msk [tilespmem:v33+s14+$0x0], $0xffff  }
0x14b: {  	s24 =	sadd.s32 $0x2, s23;
	v63 =	vbroadcast v40, $0x0;
	v47 =	vld.idx.msk [tilespmem:v32+s13+$0x0], $0xffff;
	v7 =	vadd.f32 v8, v7;
	v8 =	vadd.f32 $0.0e+00, v9  }
0x14c: {  	s31 =	sadd.s32 $0x3, s23;
	v50 =	vld.idx.msk [tilespmem:v32+s14+$0x0], $0xffff;
	v10 =	vadd.f32 v11, v10;
	v13 =	vadd.f32 v14, v13;
	v44 =	vmov s24  }
0x14d: {  	v51 =	vld.idx.msk [tilespmem:v36+s13+$0x0], $0xffff;
	v30 =	vmul.f32 v34, v30;
	v49 =	vmov s31;
	v46 =	vor.u32 v28, v41  }
0x14e: {  	v53 =	vld.idx.msk [tilespmem:v36+s14+$0x0], $0xffff;
	v29 =	vadd.f32 v29, v38;
	v48 =	vand.u32 $0x3E, v44;
	v35 =	vor.u32 v28, v63  }
0x14f: {  	v52 =	vand.u32 $0x3F, v49;
	v43 =	vadd.f32 $0.0e+00, v7;
	v44 =	vmul.f32 v12, v12  }
0x150: {  	v7 =	vmul.f32 v7, v7;
	v8 =	vadd.f32 v12, v8;
	v34 =	vbroadcast v48, $0x0  }
0x151: {  	v48 =	vadd.f32 v17, v16;
	v29 =	vadd.f32 v30, v29;
	v31 =	vmul.f32 v37, v31  }
0x152: {  	v30 =	vbroadcast v52, $0x0;
	v8 =	vadd.f32 v15, v8;
	v55 =	vmul.f32 v45, v42  }
0x153: {  	v34 =	vor.u32 v28, v34;
	v59 =	vmul.f32 v50, v47;
	v62 =	vmul.f32 v53, v51  }
0x154: {  	v42 =	vmul.f32 v9, v9;
	v45 =	vmul.f32 v10, v10;
	v10 =	vadd.f32 v10, v43;
	v54 =	vld.idx.msk [tilespmem:v46+s13+$0x0], $0xffff  }
0x155: {  	v47 =	vmul.f32 v13, v13;
	v51 =	vadd.f32 v20, v19;
	v29 =	vadd.f32 v31, v29;
	v56 =	vld.idx.msk [tilespmem:v46+s14+$0x0], $0xffff  }
0x156: {  	v57 =	vor.u32 v28, v30;
	v8 =	vadd.f32 v18, v8;
	v58 =	vld.idx.msk [tilespmem:v35+s13+$0x0], $0xffff;
	v9 =	vadd.f32 v44, v42  }
0x157: {  	v60 =	vld.idx.msk [tilespmem:v35+s14+$0x0], $0xffff;
	v7 =	vadd.f32 v45, v7;
	v46 =	vmul.f32 v15, v15;
	v10 =	vadd.f32 v13, v10  }
0x158: {  	v29 =	vadd.f32 v55, v29;
	v8 =	vadd.f32 v21, v8;
	v55 =	vld [tilespmem:$0x4170]  }
0x159: {  	v49 =	vmul.f32 v18, v18;
	v9 =	vadd.f32 v46, v9;
	v7 =	vadd.f32 v47, v7;
	v61 =	vld.idx.msk [tilespmem:v34+s13+$0x0], $0xffff  }
0x15a: {  	v50 =	vmul.f32 v48, v48;
	v10 =	vadd.f32 v48, v10;
	v29 =	vadd.f32 v59, v29;
	v34 =	vld.idx.msk [tilespmem:v34+s14+$0x0], $0xffff  }
0x15b: {  	v52 =	vmul.f32 v21, v21;
	v8 =	vadd.f32 v24, v8;
	v63 =	vld.idx.msk [tilespmem:v57+s13+$0x0], $0xffff;
	v9 =	vadd.f32 v49, v9  }
0x15c: {  	v28 =	vld.idx.msk [tilespmem:v57+s14+$0x0], $0xffff;
	v7 =	vadd.f32 v50, v7;
	v29 =	vadd.f32 v62, v29;
	v40 =	vmul.f32 v56, v54  }
0x15d: {  	v53 =	vmul.f32 v51, v51;
	v10 =	vadd.f32 v51, v10;
	v57 =	vld [tilespmem:$0x41F0];
	v54 =	vadd.f32 v23, v22  }
0x15e: {  	v30 =	vmul.f32 v60, v58;
	v56 =	vmul.f32 v24, v24;
	v29 =	vadd.f32 v40, v29  }
0x15f: {  	v60 =	vadd.f32 v26, v25;
	v7 =	vadd.f32 v53, v7;
	v58 =	vmul.f32 v54, v54  }
0x160: {  	v9 =	vadd.f32 v52, v9;
	v41 =	vmul.f32 v34, v61;
	v29 =	vadd.f32 v30, v29  }
0x161: {  	v10 =	vadd.f32 v54, v10;
	v61 =	vmul.f32 v60, v60;
	v7 =	vadd.f32 v58, v7  }
0x162: {  	v28 =	vmul.f32 v28, v63;
	v12 =	vadd.f32 v57, v55;
	v29 =	vadd.f32 v41, v29  }
0x163: {  	v59 =	vmul.f32 v27, v27;
	v9 =	vadd.f32 v56, v9;
	v10 =	vadd.f32 v60, v10  }
0x164: {  	v7 =	vadd.f32 v61, v7;
	v63 =	vmul.f32 v12, v12;
	v28 =	vadd.f32 v28, v29  }
0x165: {  	v8 =	vadd.f32 v27, v8;
	v10 =	vadd.f32 v12, v10  }
0x166: {  	v9 =	vadd.f32 v59, v9;
	v7 =	vadd.f32 v63, v7;
	v62 =	vmul.f32 v28, v28  }
0x167: {  	[tilespmem:$0x4220] =	vst v10;
	v8 =	vadd.f32 v28, v8  }
0x168: {  	s22 =	sadd.s32 $0x1, s22;
	[tilespmem:$0x4230] =	vst v7;
	v9 =	vadd.f32 v62, v9  }
0x169: {  	p0 =	sne.s32 s22, s10;
	[tilespmem:$0x4200] =	vst v8  }
.Ltmp8:
0x16a: {  	[tilespmem:$0x4210] =	vst v9;
	(pc) =	sbr.rel @p0 .LBB2_1-.Ltmp8, $4  }
0x16b: {  	[hbm4b:s9+s1] =	stream.linear.scatter [tilespmem:s21], [sflag:$0x5], $0x40, $0x38;
	[tilespmem:$0x4240] =	vst v63  }
0x16c: {  	_ =	swait.ge [sflag:s11], $0x40  }
0x16d: {  	[sflag:s11] =	ssyncset.done $0x0  }
0x16e: {  	[sflag:s11] =	ssyncadd.s32 $0xFFFFFFC0  }
0x16f: {  	_ =	sfence.sel $0x180000  }
0x170: {  	[bflag:$0x0] =	sbarrier.arrive $0xFFFF  }
0x171: {  	p0 =	sne.s32 s2, $0x0;
	_ =	strace $0x90000047  }
0x172: {  	s0 =	sadd.s32 @!p0 $0x100000, s0;
	[bflag:$0x2] =	sbarrier.arrive $0xFFFF  }
0x173: {  	[sflag:s0] =	ssyncadd.tile.s32 @!p0 $0x1;
	_ =	shalt  }
.Lfunc_end2:
_tile_overlayer_lowered:
.L_overlay_start_2:
0x174: {  	(tag) =	ssettag $0x2  }
0x175: {  	s0 =	rddreg [dreg:$0x0];
	s2 =	stileid.u32  }
0x176: {  	s1 =	rddreg [dreg:$0x1];
	p0 =	sne.s32 s2, $0x0  }
0x177: {  	s3 =	rddreg [dreg:$0x2];
	[bflag:$0x3] =	sbarrier.arrive $0xFFFF;
	s2 =	simm.s32 @!p0 $0x1C05  }
0x178: {  	[timem:s3], [sflag:s2] =	dma.local @!p0 [hbm:s0], s1  }
0x179: {  	s0 =	simm.s32 @!p0 $0x5  }
0x17a: {  	_ =	swait.ge @!p0 [sflag:s0], s1  }
0x17b: {  	s1 =	ssub.s32 @!p0 $0x0, s1;
	[sflag:s0] =	ssyncset.done @!p0 $0x0  }
0x17c: {  	[sflag:s0] =	ssyncadd.s32 @!p0 s1  }
0x17d: {  	[bflag:$0x3] =	sbarrier.arrive $0xFFFF  }
0x17e: {  	_ =	shalt  }

</sc_bundles>
